<compile_context>
chip_gen: v7x
topology: tpu7x:2x2x1
jax: 0.10.2.dev20260603
libtpu: 0.0.44.dev20260713+nightly
codegen_flags: <defaults>
</compile_context>

<pallas_src>
import functools

import jax
import jax.numpy as jnp
from jax import lax
from jax.experimental import pallas as pl
from jax.experimental.pallas import tpu as pltpu
from jax.experimental.pallas import tpu_sc as plsc

_WIN = 4
_RING = 16


def _sc_gather(tableT, idx):
    D, V = tableT.shape
    B = idx.shape[0]
    info = plsc.get_sparse_core_info()
    num_workers = info.num_cores * info.num_subcores
    n_blocks = (V + 127) // 128
    blk_per_w = (n_blocks + num_workers - 1) // num_workers
    n_win = (blk_per_w + _WIN - 1) // _WIN
    cap = 1024
    n_groups = B // 16
    mesh = plsc.VectorSubcoreMesh(core_axis_name="c", subcore_axis_name="s")

    @functools.partial(
        pl.kernel,
        mesh=mesh,
        out_type=jax.ShapeDtypeStruct((B, D), jnp.float32),
        scratch_types=[
            pltpu.VMEM((B,), jnp.int32),
            pltpu.VMEM((cap + 16,), jnp.int32),
            pltpu.VMEM((cap + 16,), jnp.int32),
            pltpu.VMEM((16,), jnp.int32),
            pltpu.VMEM((16,), jnp.int32),
            pltpu.VMEM((16,), jnp.int32),
            pltpu.VMEM((_RING, D), jnp.float32),
            pltpu.VMEM((2 * _WIN, D, 128), jnp.float32),
            [pltpu.SemaphoreType.DMA for _ in range(2)],
            pltpu.SemaphoreType.DMA,
        ],
        compiler_params=pltpu.CompilerParams(
            use_tc_tiling_on_sc=True, needs_layout_passes=False
        ),
    )
    def gather_kernel(
        table_hbm,
        idx_hbm,
        out_hbm,
        idx_all,
        my_idx,
        my_pos,
        tmpi,
        tmpp,
        tmpr,
        ring,
        blocks,
        sems,
        osem,
    ):
        wid = lax.axis_index("s") * info.num_cores + lax.axis_index("c")
        lo = wid * blk_per_w
        hi = lo + blk_per_w
        pltpu.sync_copy(idx_hbm, idx_all)
        lane = lax.iota(jnp.int32, 16)

        def compact(g, n):
            v = idx_all[pl.ds(g * 16, 16)]
            cb = v >> 7
            mine = (cb >= lo) & (cb < hi)
            plsc.store_compressed(my_idx.at[pl.ds(n, 16)], v, mask=mine)
            plsc.store_compressed(
                my_pos.at[pl.ds(n, 16)], lane + g * 16, mask=mine
            )
            n = n + plsc.all_reduce_population_count(mine)[0]
            return jnp.minimum(n, cap)

        my_n = lax.fori_loop(0, n_groups, compact, jnp.int32(0))
        my_g = (my_n + 15) >> 4

        def fetch_window(w, par):
            for s in range(_WIN):
                b = jnp.minimum(lo + w * _WIN + s, n_blocks - 1)
                off = pl.multiple_of(b * 128, 128)
                pltpu.async_copy(
                    table_hbm.at[:, pl.ds(off, 128)],
                    blocks.at[par * _WIN + s],
                    sems[par],
                )

        def wait_window(par):
            for s in range(_WIN):
                pltpu.make_async_copy(
                    table_hbm.at[:, pl.ds(0, 128)],
                    blocks.at[par * _WIN + s],
                    sems[par],
                ).wait()

        fetch_window(jnp.int32(0), 0)

        def step(w, rc):
            par = (w % 2).astype(jnp.int32)
            for par_s in range(2):

                @pl.when(par == par_s)
                def _():
                    wait_window(par_s)

                    @pl.when(w + 1 < n_win)
                    def _():
                        fetch_window(w + 1, 1 - par_s)

            wbase = lo + w * _WIN

            def scan(t, rc):
                u = my_idx[pl.ds(t * 16, 16)]
                valid = (lane + t * 16) < my_n
                rel = (u >> 7) - wbase
                match = (rel >= 0) & (rel < _WIN) & valid
                nm = plsc.all_reduce_population_count(match)[0]

                def emit(k, rc):
                    plsc.store_compressed(
                        tmpi.at[pl.ds(0, 16)], u, mask=match
                    )
                    plsc.store_compressed(
                        tmpr.at[pl.ds(0, 16)], rel + par * _WIN, mask=match
                    )
                    pj = my_pos[pl.ds(t * 16, 16)]
                    plsc.store_compressed(
                        tmpp.at[pl.ds(0, 16)], pj, mask=match
                    )
                    k16 = jnp.full((16,), k)
                    l16 = jnp.take(tmpi[pl.ds(0, 16)], k16) & 127
                    s16 = jnp.take(tmpr[pl.ds(0, 16)], k16)
                    r = rc % _RING

                    @pl.when(rc >= _RING)
                    def _():
                        pltpu.make_async_copy(
                            out_hbm.at[0], ring.at[0], osem
                        ).wait()

                    for q in range(D // 16):
                        xg = plsc.load_gather(
                            blocks, [s16, lane + q * 16, l16]
                        )
                        ring[r, pl.ds(q * 16, 16)] = xg
                    p0 = jnp.take(tmpp[pl.ds(0, 16)], k16)[0]
                    pltpu.async_copy(ring.at[r], out_hbm.at[p0], osem)
                    return rc + 1

                return lax.fori_loop(0, nm, emit, rc)

            return lax.fori_loop(0, my_g, scan, rc)

        rc = lax.fori_loop(0, n_win, step, jnp.int32(0))

        def drain(j, _):
            pltpu.make_async_copy(
                out_hbm.at[0], ring.at[0], osem
            ).wait()
            return _

        lax.fori_loop(0, jnp.minimum(rc, _RING), drain, None)

    return gather_kernel(tableT, idx)


def _tc_mlp(x, W1, b1, W2T, b2):
    B, D = x.shape
    H = W1.shape[1]
    BLK = 2048
    dn = (((1,), (1,)), ((), ()))

    def body(x_ref, w1_ref, b1_ref, w2t_ref, b2_ref, o_ref):
        xb = x_ref[...]
        h = jnp.maximum(
            jnp.dot(xb, w1_ref[...], preferred_element_type=jnp.float32)
            + b1_ref[...],
            0.0,
        )
        y = jnp.maximum(
            xb
            + lax.dot_general(
                h, w2t_ref[...], dn, preferred_element_type=jnp.float32
            )
            + b2_ref[...],
            0.0,
        )
        o_ref[...] = y.T

    return pl.pallas_call(
        body,
        grid=(B // BLK,),
        in_specs=[
            pl.BlockSpec((BLK, D), lambda i: (i, 0)),
            pl.BlockSpec((D, H), lambda i: (0, 0)),
            pl.BlockSpec((1, H), lambda i: (0, 0)),
            pl.BlockSpec((D, H), lambda i: (0, 0)),
            pl.BlockSpec((1, D), lambda i: (0, 0)),
        ],
        out_specs=pl.BlockSpec((D, BLK), lambda i: (0, i)),
        out_shape=jax.ShapeDtypeStruct((D, B), jnp.float32),
    )(x, W1, b1.reshape(1, H), W2T, b2.reshape(1, D))


def kernel(a, table, W1, b1, W2, b2):
    x = _sc_gather(table.T, a.astype(jnp.int32))
    outT = _tc_mlp(x, W1, b1, W2.T, b2)
    return outT.T

# --- scband reference (transcript-rebuilt; emitter-appended) ---
"""Pipeline reference for scband-action-encoder-70652212019412 (READ-ONLY COPY).

The authoritative reference and input builder live on the scoring server;
editing this copy changes nothing except your own understanding.
"""

import jax, jax.numpy as jnp
import numpy as np

N_ACTIONS = 1000000
ACTION_FEATURES = 64
HIDDEN_DIM = 256
BATCH = 16384


def setup_inputs(seed: int = 0) -> dict:
    key = jax.random.key(seed)
    k_a, k_tab, k_w1, k_b1, k_w2, k_b2 = jax.random.split(key, 6)
    a = jax.random.randint(k_a, (BATCH,), 0, N_ACTIONS, dtype=jnp.int64 if jax.config.jax_enable_x64 else jnp.int32)
    table = jax.random.normal(k_tab, (N_ACTIONS, ACTION_FEATURES), dtype=jnp.float32) * 0.02
    W1 = jax.random.normal(k_w1, (ACTION_FEATURES, HIDDEN_DIM), dtype=jnp.float32) * (1.0 / np.sqrt(ACTION_FEATURES))
    b1 = jnp.zeros((HIDDEN_DIM,), dtype=jnp.float32)
    W2 = jax.random.normal(k_w2, (HIDDEN_DIM, ACTION_FEATURES), dtype=jnp.float32) * (1.0 / np.sqrt(HIDDEN_DIM))
    b2 = jnp.zeros((ACTION_FEATURES,), dtype=jnp.float32)
    return {"a": a, "table": table, "W1": W1, "b1": b1, "W2": W2, "b2": b2}


def reference(a, table, W1, b1, W2, b2):
    # Embedding lookup: (batch,) -> (batch, action_features)
    x = jnp.take(table, a, axis=0)
    # ResidualLayer: relu(x + fc2(relu(fc1(x))))
    h = jax.nn.relu(x @ W1 + b1)
    out = jax.nn.relu(x + (h @ W2 + b2))
    return out

if __name__ == "__main__":
    import jax
    _d = setup_inputs()
    print(jax.jit(kernel)(*tuple(_d.values())))

</pallas_src>

<mosaic_0001>
#map = affine_map<(d0, d1) -> (0, 0)>
#map1 = affine_map<(d0, d1) -> (0)>
module attributes {stable_mosaic.version = 14 : i64} {
  func.func @gather_kernel(%arg0: i32, %arg1: i32, %arg2: memref<64x1000000xf32, #tpu.memory_space<hbm>>, %arg3: memref<16384xi32, #tpu.memory_space<hbm>>, %arg4: memref<16384x64xf32, #tpu.memory_space<hbm>>, %arg5: memref<16384xi32, #tpu.memory_space<vmem>>, %arg6: memref<1040xi32, #tpu.memory_space<vmem>>, %arg7: memref<1040xi32, #tpu.memory_space<vmem>>, %arg8: memref<16xi32, #tpu.memory_space<vmem>>, %arg9: memref<16xi32, #tpu.memory_space<vmem>>, %arg10: memref<16xi32, #tpu.memory_space<vmem>>, %arg11: memref<16x64xf32, #tpu.memory_space<vmem>>, %arg12: memref<8x64x128xf32, #tpu.memory_space<vmem>>, %arg13: memref<!tpu.dma_semaphore, #tpu.memory_space<semaphore_mem>>, %arg14: memref<!tpu.dma_semaphore, #tpu.memory_space<semaphore_mem>>, %arg15: memref<!tpu.dma_semaphore, #tpu.memory_space<semaphore_mem>>) attributes {dimension_semantics = [#tpu.dimension_semantics<core_parallel>, #tpu.dimension_semantics<subcore_parallel>], iteration_bounds = array<i64: 2, 16>, scalar_prefetch = 0 : i64, scratch_operands = 11 : i64, tpu.core_type = #tpu.core_type<sc_vector_subcore>, window_params = [{transform_indices = #map}, {transform_indices = #map1}, {transform_indices = #map}]} {
    %mul3A = arith.constant 2 : i32
    %mul3A_0 = arith.muli %arg1, %mul3A : i32
    %add3A = arith.addi %mul3A_0, %arg0 : i32
    %mul3A_1 = arith.constant 245 : i32
    %mul3A_2 = arith.muli %add3A, %mul3A_1 : i32
    %add3A_3 = arith.constant 245 : i32
    %add3A_4 = arith.addi %mul3A_2, %add3A_3 : i32
    "tpu.region"() ({
      %run_scoped3A = tpu.sem_alloc : memref<!tpu.dma_semaphore, #tpu.memory_space<semaphore_mem>>
      tpu.enqueue_dma source(%arg3 : memref<16384xi32, #tpu.memory_space<hbm>>) target(%arg5 : memref<16384xi32, #tpu.memory_space<vmem>>) target_semaphore(%run_scoped3A : memref<!tpu.dma_semaphore, #tpu.memory_space<semaphore_mem>>)
      tpu.wait_dma2 semaphore(%run_scoped3A : memref<!tpu.dma_semaphore, #tpu.memory_space<semaphore_mem>>) src(%arg3 : memref<16384xi32, #tpu.memory_space<hbm>>) dst(%arg5 : memref<16384xi32, #tpu.memory_space<vmem>>)
      tpu.yield
    }) : () -> ()
    %iota3A = tpu.iota {dimensions = array<i32: 0>} : vector<16xi32>
    %scan3A = arith.constant 0 : i32
    %scan3A_5 = arith.constant 0 : i32
    %scan3A_6 = arith.constant 1024 : i32
    %scan3A_7 = arith.addi %scan3A_5, %scan3A_6 : i32
    %scan3A_8 = arith.constant 1 : i32
    %scan3A_9 = scf.for %scan3A_124 = %scan3A_5 to %scan3A_7 step %scan3A_8 iter_args(%scan3A_125 = %scan3A) -> (i32)  : i32 {
      %mul3A_126 = arith.constant 16 : i32
      %mul3A_127 = arith.muli %scan3A_124, %mul3A_126 : i32
      %get3A = arith.index_cast %mul3A_127 : i32 to index
      %get3A_128 = tpu.vector_load %arg5[%get3A] {strides = array<i32>} : memref<16384xi32, #tpu.memory_space<vmem>>, vector<16xi32>,
      %shift_right_arithmetic3A_129 = arith.constant 7 : i32
      %shift_right_arithmetic3A_130 = vector.broadcast %shift_right_arithmetic3A_129 : i32 to vector<16xi32>
      %shift_right_arithmetic3A_131 = arith.shrsi %get3A_128, %shift_right_arithmetic3A_130 : vector<16xi32>
      %ge3A = vector.broadcast %mul3A_2 : i32 to vector<16xi32>
      %ge3A_132 = arith.cmpi sge, %shift_right_arithmetic3A_131, %ge3A : vector<16xi32>
      %lt3A = vector.broadcast %add3A_4 : i32 to vector<16xi32>
      %lt3A_133 = arith.cmpi slt, %shift_right_arithmetic3A_131, %lt3A : vector<16xi32>
      %and3A = arith.andi %ge3A_132, %lt3A_133 : vector<16xi1>
      %swap3A = arith.index_cast %scan3A_125 : i32 to index
      %swap3A_134 = tpu.vector_load %arg6[%swap3A] masked %and3A {strides = array<i32>} : memref<1040xi32, #tpu.memory_space<vmem>>, vector<16xi32>, vector<16xi1>
      tpu.vector_store %arg6[%swap3A], %get3A_128 masked %and3A {strides = array<i32>} : memref<1040xi32, #tpu.memory_space<vmem>>, vector<16xi32>, vector<16xi1>
      %mul3A_135 = arith.constant 16 : i32
      %mul3A_136 = arith.muli %scan3A_124, %mul3A_135 : i32
      %add3A_137 = vector.broadcast %mul3A_136 : i32 to vector<16xi32>
      %add3A_138 = arith.addi %iota3A, %add3A_137 : vector<16xi32>
      %swap3A_139 = arith.index_cast %scan3A_125 : i32 to index
      %swap3A_140 = tpu.vector_load %arg7[%swap3A_139] masked %and3A {strides = array<i32>} : memref<1040xi32, #tpu.memory_space<vmem>>, vector<16xi32>, vector<16xi1>
      tpu.vector_store %arg7[%swap3A_139], %add3A_138 masked %and3A {strides = array<i32>} : memref<1040xi32, #tpu.memory_space<vmem>>, vector<16xi32>, vector<16xi1>
      %all_reduce_population_count3A = tpu.all_reduce %and3A {dim = 0 : i64, kind = #tpu.reduction_kind<sum>} : vector<16xi1> -> vector<16xi32>
      %slice3A = vector.extract_strided_slice %all_reduce_population_count3A {offsets = [0], sizes = [1], strides = [1]} : vector<16xi32> to vector<1xi32>
      %squeeze3A = vector.extract %slice3A[0] : i32 from vector<1xi32>
      %add3A_141 = arith.addi %scan3A_125, %squeeze3A : i32
      %min3A_142 = arith.constant 1024 : i32
      %min3A_143 = arith.minsi %add3A_141, %min3A_142 : i32
      scf.yield %min3A_143 : i32
    }
    %scan3A_10 = arith.constant 1024 : i32
    %add3A_11 = arith.constant 15 : i32
    %add3A_12 = arith.addi %scan3A_9, %add3A_11 : i32
    %shift_right_arithmetic3A = arith.constant 4 : i32
    %shift_right_arithmetic3A_13 = arith.shrsi %add3A_12, %shift_right_arithmetic3A : i32
    %mul3A_14 = arith.constant 0 : i32
    %mul3A_15 = arith.constant 4 : i32
    %mul3A_16 = arith.muli %mul3A_14, %mul3A_15 : i32
    %add3A_17 = arith.addi %mul3A_2, %mul3A_16 : i32
    %add3A_18 = arith.constant 0 : i32
    %add3A_19 = arith.addi %add3A_17, %add3A_18 : i32
    %min3A = arith.constant 7812 : i32
    %min3A_20 = arith.minsi %add3A_19, %min3A : i32
    %mul3A_21 = arith.constant 128 : i32
    %mul3A_22 = arith.muli %min3A_20, %mul3A_21 : i32
    %multiple_of3A = tpu.assume_multiple %mul3A_22, 128 : i32
    %dma_start3A = arith.constant 0 : i32
    %dma_start3A_23 = arith.constant 0 : i32
    %dma_start3A_24 = arith.constant 0 : i32
    %dma_start3A_25 = tpu.memref_slice %arg12[%dma_start3A, %dma_start3A_23, %dma_start3A_24] : memref<8x64x128xf32, #tpu.memory_space<vmem>> -> memref<1x64x128xf32, #tpu.memory_space<vmem>>
    %dma_start3A_26 = tpu.memref_squeeze %dma_start3A_25 : memref<1x64x128xf32, #tpu.memory_space<vmem>> -> memref<64x128xf32, #tpu.memory_space<vmem>>
    %dma_start3A_27 = arith.constant 0 : i32
    %dma_start3A_28 = tpu.memref_slice %arg2[%dma_start3A_27, %multiple_of3A] : memref<64x1000000xf32, #tpu.memory_space<hbm>> -> memref<64x128xf32, #tpu.memory_space<hbm>>
    %dma_start3A_29 = arith.constant 0 : i32
    %dma_start3A_30 = arith.constant 0 : i32
    %dma_start3A_31 = tpu.memref_slice %arg12[%dma_start3A, %dma_start3A_29, %dma_start3A_30] : memref<8x64x128xf32, #tpu.memory_space<vmem>> -> memref<1x64x128xf32, #tpu.memory_space<vmem>>
    %dma_start3A_32 = tpu.memref_squeeze %dma_start3A_31 : memref<1x64x128xf32, #tpu.memory_space<vmem>> -> memref<64x128xf32, #tpu.memory_space<vmem>>
    %dma_start3A_33 = arith.constant 0 : i32
    %dma_start3A_34 = tpu.memref_slice %arg2[%dma_start3A_33, %multiple_of3A] : memref<64x1000000xf32, #tpu.memory_space<hbm>> -> memref<64x128xf32, #tpu.memory_space<hbm>>
    tpu.enqueue_dma source(%dma_start3A_34 : memref<64x128xf32, #tpu.memory_space<hbm>>) target(%dma_start3A_32 : memref<64x128xf32, #tpu.memory_space<vmem>>) target_semaphore(%arg13 : memref<!tpu.dma_semaphore, #tpu.memory_space<semaphore_mem>>)
    %mul3A_35 = arith.constant 0 : i32
    %mul3A_36 = arith.constant 4 : i32
    %mul3A_37 = arith.muli %mul3A_35, %mul3A_36 : i32
    %add3A_38 = arith.addi %mul3A_2, %mul3A_37 : i32
    %add3A_39 = arith.constant 1 : i32
    %add3A_40 = arith.addi %add3A_38, %add3A_39 : i32
    %min3A_41 = arith.constant 7812 : i32
    %min3A_42 = arith.minsi %add3A_40, %min3A_41 : i32
    %mul3A_43 = arith.constant 128 : i32
    %mul3A_44 = arith.muli %min3A_42, %mul3A_43 : i32
    %multiple_of3A_45 = tpu.assume_multiple %mul3A_44, 128 : i32
    %dma_start3A_46 = arith.constant 1 : i32
    %dma_start3A_47 = arith.constant 0 : i32
    %dma_start3A_48 = arith.constant 0 : i32
    %dma_start3A_49 = tpu.memref_slice %arg12[%dma_start3A_46, %dma_start3A_47, %dma_start3A_48] : memref<8x64x128xf32, #tpu.memory_space<vmem>> -> memref<1x64x128xf32, #tpu.memory_space<vmem>>
    %dma_start3A_50 = tpu.memref_squeeze %dma_start3A_49 : memref<1x64x128xf32, #tpu.memory_space<vmem>> -> memref<64x128xf32, #tpu.memory_space<vmem>>
    %dma_start3A_51 = arith.constant 0 : i32
    %dma_start3A_52 = tpu.memref_slice %arg2[%dma_start3A_51, %multiple_of3A_45] : memref<64x1000000xf32, #tpu.memory_space<hbm>> -> memref<64x128xf32, #tpu.memory_space<hbm>>
    %dma_start3A_53 = arith.constant 0 : i32
    %dma_start3A_54 = arith.constant 0 : i32
    %dma_start3A_55 = tpu.memref_slice %arg12[%dma_start3A_46, %dma_start3A_53, %dma_start3A_54] : memref<8x64x128xf32, #tpu.memory_space<vmem>> -> memref<1x64x128xf32, #tpu.memory_space<vmem>>
    %dma_start3A_56 = tpu.memref_squeeze %dma_start3A_55 : memref<1x64x128xf32, #tpu.memory_space<vmem>> -> memref<64x128xf32, #tpu.memory_space<vmem>>
    %dma_start3A_57 = arith.constant 0 : i32
    %dma_start3A_58 = tpu.memref_slice %arg2[%dma_start3A_57, %multiple_of3A_45] : memref<64x1000000xf32, #tpu.memory_space<hbm>> -> memref<64x128xf32, #tpu.memory_space<hbm>>
    tpu.enqueue_dma source(%dma_start3A_58 : memref<64x128xf32, #tpu.memory_space<hbm>>) target(%dma_start3A_56 : memref<64x128xf32, #tpu.memory_space<vmem>>) target_semaphore(%arg13 : memref<!tpu.dma_semaphore, #tpu.memory_space<semaphore_mem>>)
    %mul3A_59 = arith.constant 0 : i32
    %mul3A_60 = arith.constant 4 : i32
    %mul3A_61 = arith.muli %mul3A_59, %mul3A_60 : i32
    %add3A_62 = arith.addi %mul3A_2, %mul3A_61 : i32
    %add3A_63 = arith.constant 2 : i32
    %add3A_64 = arith.addi %add3A_62, %add3A_63 : i32
    %min3A_65 = arith.constant 7812 : i32
    %min3A_66 = arith.minsi %add3A_64, %min3A_65 : i32
    %mul3A_67 = arith.constant 128 : i32
    %mul3A_68 = arith.muli %min3A_66, %mul3A_67 : i32
    %multiple_of3A_69 = tpu.assume_multiple %mul3A_68, 128 : i32
    %dma_start3A_70 = arith.constant 2 : i32
    %dma_start3A_71 = arith.constant 0 : i32
    %dma_start3A_72 = arith.constant 0 : i32
    %dma_start3A_73 = tpu.memref_slice %arg12[%dma_start3A_70, %dma_start3A_71, %dma_start3A_72] : memref<8x64x128xf32, #tpu.memory_space<vmem>> -> memref<1x64x128xf32, #tpu.memory_space<vmem>>
    %dma_start3A_74 = tpu.memref_squeeze %dma_start3A_73 : memref<1x64x128xf32, #tpu.memory_space<vmem>> -> memref<64x128xf32, #tpu.memory_space<vmem>>
    %dma_start3A_75 = arith.constant 0 : i32
    %dma_start3A_76 = tpu.memref_slice %arg2[%dma_start3A_75, %multiple_of3A_69] : memref<64x1000000xf32, #tpu.memory_space<hbm>> -> memref<64x128xf32, #tpu.memory_space<hbm>>
    %dma_start3A_77 = arith.constant 0 : i32
    %dma_start3A_78 = arith.constant 0 : i32
    %dma_start3A_79 = tpu.memref_slice %arg12[%dma_start3A_70, %dma_start3A_77, %dma_start3A_78] : memref<8x64x128xf32, #tpu.memory_space<vmem>> -> memref<1x64x128xf32, #tpu.memory_space<vmem>>
    %dma_start3A_80 = tpu.memref_squeeze %dma_start3A_79 : memref<1x64x128xf32, #tpu.memory_space<vmem>> -> memref<64x128xf32, #tpu.memory_space<vmem>>
    %dma_start3A_81 = arith.constant 0 : i32
    %dma_start3A_82 = tpu.memref_slice %arg2[%dma_start3A_81, %multiple_of3A_69] : memref<64x1000000xf32, #tpu.memory_space<hbm>> -> memref<64x128xf32, #tpu.memory_space<hbm>>
    tpu.enqueue_dma source(%dma_start3A_82 : memref<64x128xf32, #tpu.memory_space<hbm>>) target(%dma_start3A_80 : memref<64x128xf32, #tpu.memory_space<vmem>>) target_semaphore(%arg13 : memref<!tpu.dma_semaphore, #tpu.memory_space<semaphore_mem>>)
    %mul3A_83 = arith.constant 0 : i32
    %mul3A_84 = arith.constant 4 : i32
    %mul3A_85 = arith.muli %mul3A_83, %mul3A_84 : i32
    %add3A_86 = arith.addi %mul3A_2, %mul3A_85 : i32
    %add3A_87 = arith.constant 3 : i32
    %add3A_88 = arith.addi %add3A_86, %add3A_87 : i32
    %min3A_89 = arith.constant 7812 : i32
    %min3A_90 = arith.minsi %add3A_88, %min3A_89 : i32
    %mul3A_91 = arith.constant 128 : i32
    %mul3A_92 = arith.muli %min3A_90, %mul3A_91 : i32
    %multiple_of3A_93 = tpu.assume_multiple %mul3A_92, 128 : i32
    %dma_start3A_94 = arith.constant 3 : i32
    %dma_start3A_95 = arith.constant 0 : i32
    %dma_start3A_96 = arith.constant 0 : i32
    %dma_start3A_97 = tpu.memref_slice %arg12[%dma_start3A_94, %dma_start3A_95, %dma_start3A_96] : memref<8x64x128xf32, #tpu.memory_space<vmem>> -> memref<1x64x128xf32, #tpu.memory_space<vmem>>
    %dma_start3A_98 = tpu.memref_squeeze %dma_start3A_97 : memref<1x64x128xf32, #tpu.memory_space<vmem>> -> memref<64x128xf32, #tpu.memory_space<vmem>>
    %dma_start3A_99 = arith.constant 0 : i32
    %dma_start3A_100 = tpu.memref_slice %arg2[%dma_start3A_99, %multiple_of3A_93] : memref<64x1000000xf32, #tpu.memory_space<hbm>> -> memref<64x128xf32, #tpu.memory_space<hbm>>
    %dma_start3A_101 = arith.constant 0 : i32
    %dma_start3A_102 = arith.constant 0 : i32
    %dma_start3A_103 = tpu.memref_slice %arg12[%dma_start3A_94, %dma_start3A_101, %dma_start3A_102] : memref<8x64x128xf32, #tpu.memory_space<vmem>> -> memref<1x64x128xf32, #tpu.memory_space<vmem>>
    %dma_start3A_104 = tpu.memref_squeeze %dma_start3A_103 : memref<1x64x128xf32, #tpu.memory_space<vmem>> -> memref<64x128xf32, #tpu.memory_space<vmem>>
    %dma_start3A_105 = arith.constant 0 : i32
    %dma_start3A_106 = tpu.memref_slice %arg2[%dma_start3A_105, %multiple_of3A_93] : memref<64x1000000xf32, #tpu.memory_space<hbm>> -> memref<64x128xf32, #tpu.memory_space<hbm>>
    tpu.enqueue_dma source(%dma_start3A_106 : memref<64x128xf32, #tpu.memory_space<hbm>>) target(%dma_start3A_104 : memref<64x128xf32, #tpu.memory_space<vmem>>) target_semaphore(%arg13 : memref<!tpu.dma_semaphore, #tpu.memory_space<semaphore_mem>>)
    %scan3A_107 = arith.constant 0 : i32
    %scan3A_108 = arith.constant 0 : i32
    %scan3A_109 = arith.constant 62 : i32
    %scan3A_110 = arith.addi %scan3A_108, %scan3A_109 : i32
    %scan3A_111 = arith.constant 1 : i32
    %scan3A_112 = scf.for %scan3A_124 = %scan3A_108 to %scan3A_110 step %scan3A_111 iter_args(%scan3A_125 = %scan3A_107) -> (i32)  : i32 {
      %jit3A = arith.constant 2 : i32
      %eq3A = arith.constant 0 : i32
      %eq3A_126 = arith.cmpi eq, %jit3A, %eq3A : i32
      %jit3A_127 = arith.constant 1 : i32
      %select_n3A = arith.select %eq3A_126, %jit3A_127, %jit3A : i32
      %rem3A = arith.remsi %scan3A_124, %select_n3A : i32
      %ne3A = arith.constant 0 : i32
      %ne3A_128 = arith.cmpi ne, %rem3A, %ne3A : i32
      %lt3A = arith.constant 0 : i32
      %lt3A_129 = arith.cmpi slt, %rem3A, %lt3A : i32
      %lt3A_130 = arith.constant 0 : i32
      %lt3A_131 = arith.cmpi slt, %select_n3A, %lt3A_130 : i32
      %ne3A_132 = arith.xori %lt3A_129, %lt3A_131 : i1
      %and3A = arith.andi %ne3A_132, %ne3A_128 : i1
      %add3A_133 = arith.addi %rem3A, %select_n3A : i32
      %select_n3A_134 = arith.select %and3A, %add3A_133, %rem3A : i32
      %eq3A_135 = arith.constant 0 : i32
      %eq3A_136 = arith.cmpi eq, %select_n3A_134, %eq3A_135 : i32
      %convert_element_type3A = arith.extui %eq3A_136 : i1 to i32
      %cond3A = arith.constant 0 : i32
      %cond3A_137 = arith.cmpi ne, %convert_element_type3A, %cond3A : i32
      scf.if %cond3A_137 {
        %dma_wait3A = arith.constant 0 : i32
        %dma_wait3A_157 = arith.constant 0 : i32
        %dma_wait3A_158 = arith.constant 0 : i32
        %dma_wait3A_159 = tpu.memref_slice %arg12[%dma_wait3A, %dma_wait3A_157, %dma_wait3A_158] : memref<8x64x128xf32, #tpu.memory_space<vmem>> -> memref<1x64x128xf32, #tpu.memory_space<vmem>>
        %dma_wait3A_160 = tpu.memref_squeeze %dma_wait3A_159 : memref<1x64x128xf32, #tpu.memory_space<vmem>> -> memref<64x128xf32, #tpu.memory_space<vmem>>
        %dma_wait3A_161 = arith.constant 0 : i32
        %dma_wait3A_162 = arith.constant 0 : i32
        %dma_wait3A_163 = tpu.memref_slice %arg2[%dma_wait3A_161, %dma_wait3A_162] : memref<64x1000000xf32, #tpu.memory_space<hbm>> -> memref<64x128xf32, #tpu.memory_space<hbm>>
        %dma_wait3A_164 = arith.constant 0 : i32
        %dma_wait3A_165 = arith.constant 0 : i32
        %dma_wait3A_166 = tpu.memref_slice %arg12[%dma_wait3A, %dma_wait3A_164, %dma_wait3A_165] : memref<8x64x128xf32, #tpu.memory_space<vmem>> -> memref<1x64x128xf32, #tpu.memory_space<vmem>>
        %dma_wait3A_167 = tpu.memref_squeeze %dma_wait3A_166 : memref<1x64x128xf32, #tpu.memory_space<vmem>> -> memref<64x128xf32, #tpu.memory_space<vmem>>
        %dma_wait3A_168 = arith.constant 0 : i32
        %dma_wait3A_169 = arith.constant 0 : i32
        %dma_wait3A_170 = tpu.memref_slice %arg2[%dma_wait3A_168, %dma_wait3A_169] : memref<64x1000000xf32, #tpu.memory_space<hbm>> -> memref<64x128xf32, #tpu.memory_space<hbm>>
        tpu.wait_dma2 semaphore(%arg13 : memref<!tpu.dma_semaphore, #tpu.memory_space<semaphore_mem>>) src(%dma_wait3A_170 : memref<64x128xf32, #tpu.memory_space<hbm>>) dst(%dma_wait3A_167 : memref<64x128xf32, #tpu.memory_space<vmem>>)
        %dma_wait3A_171 = arith.constant 1 : i32
        %dma_wait3A_172 = arith.constant 0 : i32
        %dma_wait3A_173 = arith.constant 0 : i32
        %dma_wait3A_174 = tpu.memref_slice %arg12[%dma_wait3A_171, %dma_wait3A_172, %dma_wait3A_173] : memref<8x64x128xf32, #tpu.memory_space<vmem>> -> memref<1x64x128xf32, #tpu.memory_space<vmem>>
        %dma_wait3A_175 = tpu.memref_squeeze %dma_wait3A_174 : memref<1x64x128xf32, #tpu.memory_space<vmem>> -> memref<64x128xf32, #tpu.memory_space<vmem>>
        %dma_wait3A_176 = arith.constant 0 : i32
        %dma_wait3A_177 = arith.constant 0 : i32
        %dma_wait3A_178 = tpu.memref_slice %arg2[%dma_wait3A_176, %dma_wait3A_177] : memref<64x1000000xf32, #tpu.memory_space<hbm>> -> memref<64x128xf32, #tpu.memory_space<hbm>>
        %dma_wait3A_179 = arith.constant 0 : i32
        %dma_wait3A_180 = arith.constant 0 : i32
        %dma_wait3A_181 = tpu.memref_slice %arg12[%dma_wait3A_171, %dma_wait3A_179, %dma_wait3A_180] : memref<8x64x128xf32, #tpu.memory_space<vmem>> -> memref<1x64x128xf32, #tpu.memory_space<vmem>>
        %dma_wait3A_182 = tpu.memref_squeeze %dma_wait3A_181 : memref<1x64x128xf32, #tpu.memory_space<vmem>> -> memref<64x128xf32, #tpu.memory_space<vmem>>
        %dma_wait3A_183 = arith.constant 0 : i32
        %dma_wait3A_184 = arith.constant 0 : i32
        %dma_wait3A_185 = tpu.memref_slice %arg2[%dma_wait3A_183, %dma_wait3A_184] : memref<64x1000000xf32, #tpu.memory_space<hbm>> -> memref<64x128xf32, #tpu.memory_space<hbm>>
        tpu.wait_dma2 semaphore(%arg13 : memref<!tpu.dma_semaphore, #tpu.memory_space<semaphore_mem>>) src(%dma_wait3A_185 : memref<64x128xf32, #tpu.memory_space<hbm>>) dst(%dma_wait3A_182 : memref<64x128xf32, #tpu.memory_space<vmem>>)
        %dma_wait3A_186 = arith.constant 2 : i32
        %dma_wait3A_187 = arith.constant 0 : i32
        %dma_wait3A_188 = arith.constant 0 : i32
        %dma_wait3A_189 = tpu.memref_slice %arg12[%dma_wait3A_186, %dma_wait3A_187, %dma_wait3A_188] : memref<8x64x128xf32, #tpu.memory_space<vmem>> -> memref<1x64x128xf32, #tpu.memory_space<vmem>>
        %dma_wait3A_190 = tpu.memref_squeeze %dma_wait3A_189 : memref<1x64x128xf32, #tpu.memory_space<vmem>> -> memref<64x128xf32, #tpu.memory_space<vmem>>
        %dma_wait3A_191 = arith.constant 0 : i32
        %dma_wait3A_192 = arith.constant 0 : i32
        %dma_wait3A_193 = tpu.memref_slice %arg2[%dma_wait3A_191, %dma_wait3A_192] : memref<64x1000000xf32, #tpu.memory_space<hbm>> -> memref<64x128xf32, #tpu.memory_space<hbm>>
        %dma_wait3A_194 = arith.constant 0 : i32
        %dma_wait3A_195 = arith.constant 0 : i32
        %dma_wait3A_196 = tpu.memref_slice %arg12[%dma_wait3A_186, %dma_wait3A_194, %dma_wait3A_195] : memref<8x64x128xf32, #tpu.memory_space<vmem>> -> memref<1x64x128xf32, #tpu.memory_space<vmem>>
        %dma_wait3A_197 = tpu.memref_squeeze %dma_wait3A_196 : memref<1x64x128xf32, #tpu.memory_space<vmem>> -> memref<64x128xf32, #tpu.memory_space<vmem>>
        %dma_wait3A_198 = arith.constant 0 : i32
        %dma_wait3A_199 = arith.constant 0 : i32
        %dma_wait3A_200 = tpu.memref_slice %arg2[%dma_wait3A_198, %dma_wait3A_199] : memref<64x1000000xf32, #tpu.memory_space<hbm>> -> memref<64x128xf32, #tpu.memory_space<hbm>>
        tpu.wait_dma2 semaphore(%arg13 : memref<!tpu.dma_semaphore, #tpu.memory_space<semaphore_mem>>) src(%dma_wait3A_200 : memref<64x128xf32, #tpu.memory_space<hbm>>) dst(%dma_wait3A_197 : memref<64x128xf32, #tpu.memory_space<vmem>>)
        %dma_wait3A_201 = arith.constant 3 : i32
        %dma_wait3A_202 = arith.constant 0 : i32
        %dma_wait3A_203 = arith.constant 0 : i32
        %dma_wait3A_204 = tpu.memref_slice %arg12[%dma_wait3A_201, %dma_wait3A_202, %dma_wait3A_203] : memref<8x64x128xf32, #tpu.memory_space<vmem>> -> memref<1x64x128xf32, #tpu.memory_space<vmem>>
        %dma_wait3A_205 = tpu.memref_squeeze %dma_wait3A_204 : memref<1x64x128xf32, #tpu.memory_space<vmem>> -> memref<64x128xf32, #tpu.memory_space<vmem>>
        %dma_wait3A_206 = arith.constant 0 : i32
        %dma_wait3A_207 = arith.constant 0 : i32
        %dma_wait3A_208 = tpu.memref_slice %arg2[%dma_wait3A_206, %dma_wait3A_207] : memref<64x1000000xf32, #tpu.memory_space<hbm>> -> memref<64x128xf32, #tpu.memory_space<hbm>>
        %dma_wait3A_209 = arith.constant 0 : i32
        %dma_wait3A_210 = arith.constant 0 : i32
        %dma_wait3A_211 = tpu.memref_slice %arg12[%dma_wait3A_201, %dma_wait3A_209, %dma_wait3A_210] : memref<8x64x128xf32, #tpu.memory_space<vmem>> -> memref<1x64x128xf32, #tpu.memory_space<vmem>>
        %dma_wait3A_212 = tpu.memref_squeeze %dma_wait3A_211 : memref<1x64x128xf32, #tpu.memory_space<vmem>> -> memref<64x128xf32, #tpu.memory_space<vmem>>
        %dma_wait3A_213 = arith.constant 0 : i32
        %dma_wait3A_214 = arith.constant 0 : i32
        %dma_wait3A_215 = tpu.memref_slice %arg2[%dma_wait3A_213, %dma_wait3A_214] : memref<64x1000000xf32, #tpu.memory_space<hbm>> -> memref<64x128xf32, #tpu.memory_space<hbm>>
        tpu.wait_dma2 semaphore(%arg13 : memref<!tpu.dma_semaphore, #tpu.memory_space<semaphore_mem>>) src(%dma_wait3A_215 : memref<64x128xf32, #tpu.memory_space<hbm>>) dst(%dma_wait3A_212 : memref<64x128xf32, #tpu.memory_space<vmem>>)
        %add3A_216 = arith.constant 1 : i32
        %add3A_217 = arith.addi %scan3A_124, %add3A_216 : i32
        %lt3A_218 = arith.constant 62 : i32
        %lt3A_219 = arith.cmpi slt, %add3A_217, %lt3A_218 : i32
        %convert_element_type3A_220 = arith.extui %lt3A_219 : i1 to i32
        %cond3A_221 = arith.constant 0 : i32
        %cond3A_222 = arith.cmpi ne, %convert_element_type3A_220, %cond3A_221 : i32
        scf.if %cond3A_222 {
          %add3A_223 = arith.constant 1 : i32
          %add3A_224 = arith.addi %scan3A_124, %add3A_223 : i32
          %mul3A_225 = arith.constant 4 : i32
          %mul3A_226 = arith.muli %add3A_224, %mul3A_225 : i32
          %add3A_227 = arith.addi %mul3A_2, %mul3A_226 : i32
          %add3A_228 = arith.constant 0 : i32
          %add3A_229 = arith.addi %add3A_227, %add3A_228 : i32
          %min3A_230 = arith.constant 7812 : i32
          %min3A_231 = arith.minsi %add3A_229, %min3A_230 : i32
          %mul3A_232 = arith.constant 128 : i32
          %mul3A_233 = arith.muli %min3A_231, %mul3A_232 : i32
          %multiple_of3A_234 = tpu.assume_multiple %mul3A_233, 128 : i32
          %dma_start3A_235 = arith.constant 4 : i32
          %dma_start3A_236 = arith.constant 0 : i32
          %dma_start3A_237 = arith.constant 0 : i32
          %dma_start3A_238 = tpu.memref_slice %arg12[%dma_start3A_235, %dma_start3A_236, %dma_start3A_237] : memref<8x64x128xf32, #tpu.memory_space<vmem>> -> memref<1x64x128xf32, #tpu.memory_space<vmem>>
          %dma_start3A_239 = tpu.memref_squeeze %dma_start3A_238 : memref<1x64x128xf32, #tpu.memory_space<vmem>> -> memref<64x128xf32, #tpu.memory_space<vmem>>
          %dma_start3A_240 = arith.constant 0 : i32
          %dma_start3A_241 = tpu.memref_slice %arg2[%dma_start3A_240, %multiple_of3A_234] : memref<64x1000000xf32, #tpu.memory_space<hbm>> -> memref<64x128xf32, #tpu.memory_space<hbm>>
          %dma_start3A_242 = arith.constant 0 : i32
          %dma_start3A_243 = arith.constant 0 : i32
          %dma_start3A_244 = tpu.memref_slice %arg12[%dma_start3A_235, %dma_start3A_242, %dma_start3A_243] : memref<8x64x128xf32, #tpu.memory_space<vmem>> -> memref<1x64x128xf32, #tpu.memory_space<vmem>>
          %dma_start3A_245 = tpu.memref_squeeze %dma_start3A_244 : memref<1x64x128xf32, #tpu.memory_space<vmem>> -> memref<64x128xf32, #tpu.memory_space<vmem>>
          %dma_start3A_246 = arith.constant 0 : i32
          %dma_start3A_247 = tpu.memref_slice %arg2[%dma_start3A_246, %multiple_of3A_234] : memref<64x1000000xf32, #tpu.memory_space<hbm>> -> memref<64x128xf32, #tpu.memory_space<hbm>>
          tpu.enqueue_dma source(%dma_start3A_247 : memref<64x128xf32, #tpu.memory_space<hbm>>) target(%dma_start3A_245 : memref<64x128xf32, #tpu.memory_space<vmem>>) target_semaphore(%arg14 : memref<!tpu.dma_semaphore, #tpu.memory_space<semaphore_mem>>)
          %mul3A_248 = arith.constant 4 : i32
          %mul3A_249 = arith.muli %add3A_224, %mul3A_248 : i32
          %add3A_250 = arith.addi %mul3A_2, %mul3A_249 : i32
          %add3A_251 = arith.constant 1 : i32
          %add3A_252 = arith.addi %add3A_250, %add3A_251 : i32
          %min3A_253 = arith.constant 7812 : i32
          %min3A_254 = arith.minsi %add3A_252, %min3A_253 : i32
          %mul3A_255 = arith.constant 128 : i32
          %mul3A_256 = arith.muli %min3A_254, %mul3A_255 : i32
          %multiple_of3A_257 = tpu.assume_multiple %mul3A_256, 128 : i32
          %dma_start3A_258 = arith.constant 5 : i32
          %dma_start3A_259 = arith.constant 0 : i32
          %dma_start3A_260 = arith.constant 0 : i32
          %dma_start3A_261 = tpu.memref_slice %arg12[%dma_start3A_258, %dma_start3A_259, %dma_start3A_260] : memref<8x64x128xf32, #tpu.memory_space<vmem>> -> memref<1x64x128xf32, #tpu.memory_space<vmem>>
          %dma_start3A_262 = tpu.memref_squeeze %dma_start3A_261 : memref<1x64x128xf32, #tpu.memory_space<vmem>> -> memref<64x128xf32, #tpu.memory_space<vmem>>
          %dma_start3A_263 = arith.constant 0 : i32
          %dma_start3A_264 = tpu.memref_slice %arg2[%dma_start3A_263, %multiple_of3A_257] : memref<64x1000000xf32, #tpu.memory_space<hbm>> -> memref<64x128xf32, #tpu.memory_space<hbm>>
          %dma_start3A_265 = arith.constant 0 : i32
          %dma_start3A_266 = arith.constant 0 : i32
          %dma_start3A_267 = tpu.memref_slice %arg12[%dma_start3A_258, %dma_start3A_265, %dma_start3A_266] : memref<8x64x128xf32, #tpu.memory_space<vmem>> -> memref<1x64x128xf32, #tpu.memory_space<vmem>>
          %dma_start3A_268 = tpu.memref_squeeze %dma_start3A_267 : memref<1x64x128xf32, #tpu.memory_space<vmem>> -> memref<64x128xf32, #tpu.memory_space<vmem>>
          %dma_start3A_269 = arith.constant 0 : i32
          %dma_start3A_270 = tpu.memref_slice %arg2[%dma_start3A_269, %multiple_of3A_257] : memref<64x1000000xf32, #tpu.memory_space<hbm>> -> memref<64x128xf32, #tpu.memory_space<hbm>>
          tpu.enqueue_dma source(%dma_start3A_270 : memref<64x128xf32, #tpu.memory_space<hbm>>) target(%dma_start3A_268 : memref<64x128xf32, #tpu.memory_space<vmem>>) target_semaphore(%arg14 : memref<!tpu.dma_semaphore, #tpu.memory_space<semaphore_mem>>)
          %mul3A_271 = arith.constant 4 : i32
          %mul3A_272 = arith.muli %add3A_224, %mul3A_271 : i32
          %add3A_273 = arith.addi %mul3A_2, %mul3A_272 : i32
          %add3A_274 = arith.constant 2 : i32
          %add3A_275 = arith.addi %add3A_273, %add3A_274 : i32
          %min3A_276 = arith.constant 7812 : i32
          %min3A_277 = arith.minsi %add3A_275, %min3A_276 : i32
          %mul3A_278 = arith.constant 128 : i32
          %mul3A_279 = arith.muli %min3A_277, %mul3A_278 : i32
          %multiple_of3A_280 = tpu.assume_multiple %mul3A_279, 128 : i32
          %dma_start3A_281 = arith.constant 6 : i32
          %dma_start3A_282 = arith.constant 0 : i32
          %dma_start3A_283 = arith.constant 0 : i32
          %dma_start3A_284 = tpu.memref_slice %arg12[%dma_start3A_281, %dma_start3A_282, %dma_start3A_283] : memref<8x64x128xf32, #tpu.memory_space<vmem>> -> memref<1x64x128xf32, #tpu.memory_space<vmem>>
          %dma_start3A_285 = tpu.memref_squeeze %dma_start3A_284 : memref<1x64x128xf32, #tpu.memory_space<vmem>> -> memref<64x128xf32, #tpu.memory_space<vmem>>
          %dma_start3A_286 = arith.constant 0 : i32
          %dma_start3A_287 = tpu.memref_slice %arg2[%dma_start3A_286, %multiple_of3A_280] : memref<64x1000000xf32, #tpu.memory_space<hbm>> -> memref<64x128xf32, #tpu.memory_space<hbm>>
          %dma_start3A_288 = arith.constant 0 : i32
          %dma_start3A_289 = arith.constant 0 : i32
          %dma_start3A_290 = tpu.memref_slice %arg12[%dma_start3A_281, %dma_start3A_288, %dma_start3A_289] : memref<8x64x128xf32, #tpu.memory_space<vmem>> -> memref<1x64x128xf32, #tpu.memory_space<vmem>>
          %dma_start3A_291 = tpu.memref_squeeze %dma_start3A_290 : memref<1x64x128xf32, #tpu.memory_space<vmem>> -> memref<64x128xf32, #tpu.memory_space<vmem>>
          %dma_start3A_292 = arith.constant 0 : i32
          %dma_start3A_293 = tpu.memref_slice %arg2[%dma_start3A_292, %multiple_of3A_280] : memref<64x1000000xf32, #tpu.memory_space<hbm>> -> memref<64x128xf32, #tpu.memory_space<hbm>>
          tpu.enqueue_dma source(%dma_start3A_293 : memref<64x128xf32, #tpu.memory_space<hbm>>) target(%dma_start3A_291 : memref<64x128xf32, #tpu.memory_space<vmem>>) target_semaphore(%arg14 : memref<!tpu.dma_semaphore, #tpu.memory_space<semaphore_mem>>)
          %mul3A_294 = arith.constant 4 : i32
          %mul3A_295 = arith.muli %add3A_224, %mul3A_294 : i32
          %add3A_296 = arith.addi %mul3A_2, %mul3A_295 : i32
          %add3A_297 = arith.constant 3 : i32
          %add3A_298 = arith.addi %add3A_296, %add3A_297 : i32
          %min3A_299 = arith.constant 7812 : i32
          %min3A_300 = arith.minsi %add3A_298, %min3A_299 : i32
          %mul3A_301 = arith.constant 128 : i32
          %mul3A_302 = arith.muli %min3A_300, %mul3A_301 : i32
          %multiple_of3A_303 = tpu.assume_multiple %mul3A_302, 128 : i32
          %dma_start3A_304 = arith.constant 7 : i32
          %dma_start3A_305 = arith.constant 0 : i32
          %dma_start3A_306 = arith.constant 0 : i32
          %dma_start3A_307 = tpu.memref_slice %arg12[%dma_start3A_304, %dma_start3A_305, %dma_start3A_306] : memref<8x64x128xf32, #tpu.memory_space<vmem>> -> memref<1x64x128xf32, #tpu.memory_space<vmem>>
          %dma_start3A_308 = tpu.memref_squeeze %dma_start3A_307 : memref<1x64x128xf32, #tpu.memory_space<vmem>> -> memref<64x128xf32, #tpu.memory_space<vmem>>
          %dma_start3A_309 = arith.constant 0 : i32
          %dma_start3A_310 = tpu.memref_slice %arg2[%dma_start3A_309, %multiple_of3A_303] : memref<64x1000000xf32, #tpu.memory_space<hbm>> -> memref<64x128xf32, #tpu.memory_space<hbm>>
          %dma_start3A_311 = arith.constant 0 : i32
          %dma_start3A_312 = arith.constant 0 : i32
          %dma_start3A_313 = tpu.memref_slice %arg12[%dma_start3A_304, %dma_start3A_311, %dma_start3A_312] : memref<8x64x128xf32, #tpu.memory_space<vmem>> -> memref<1x64x128xf32, #tpu.memory_space<vmem>>
          %dma_start3A_314 = tpu.memref_squeeze %dma_start3A_313 : memref<1x64x128xf32, #tpu.memory_space<vmem>> -> memref<64x128xf32, #tpu.memory_space<vmem>>
          %dma_start3A_315 = arith.constant 0 : i32
          %dma_start3A_316 = tpu.memref_slice %arg2[%dma_start3A_315, %multiple_of3A_303] : memref<64x1000000xf32, #tpu.memory_space<hbm>> -> memref<64x128xf32, #tpu.memory_space<hbm>>
          tpu.enqueue_dma source(%dma_start3A_316 : memref<64x128xf32, #tpu.memory_space<hbm>>) target(%dma_start3A_314 : memref<64x128xf32, #tpu.memory_space<vmem>>) target_semaphore(%arg14 : memref<!tpu.dma_semaphore, #tpu.memory_space<semaphore_mem>>)
        } else {
        }
      } else {
      }
      %eq3A_138 = arith.constant 1 : i32
      %eq3A_139 = arith.cmpi eq, %select_n3A_134, %eq3A_138 : i32
      %convert_element_type3A_140 = arith.extui %eq3A_139 : i1 to i32
      %cond3A_141 = arith.constant 0 : i32
      %cond3A_142 = arith.cmpi ne, %convert_element_type3A_140, %cond3A_141 : i32
      scf.if %cond3A_142 {
        %dma_wait3A = arith.constant 4 : i32
        %dma_wait3A_157 = arith.constant 0 : i32
        %dma_wait3A_158 = arith.constant 0 : i32
        %dma_wait3A_159 = tpu.memref_slice %arg12[%dma_wait3A, %dma_wait3A_157, %dma_wait3A_158] : memref<8x64x128xf32, #tpu.memory_space<vmem>> -> memref<1x64x128xf32, #tpu.memory_space<vmem>>
        %dma_wait3A_160 = tpu.memref_squeeze %dma_wait3A_159 : memref<1x64x128xf32, #tpu.memory_space<vmem>> -> memref<64x128xf32, #tpu.memory_space<vmem>>
        %dma_wait3A_161 = arith.constant 0 : i32
        %dma_wait3A_162 = arith.constant 0 : i32
        %dma_wait3A_163 = tpu.memref_slice %arg2[%dma_wait3A_161, %dma_wait3A_162] : memref<64x1000000xf32, #tpu.memory_space<hbm>> -> memref<64x128xf32, #tpu.memory_space<hbm>>
        %dma_wait3A_164 = arith.constant 0 : i32
        %dma_wait3A_165 = arith.constant 0 : i32
        %dma_wait3A_166 = tpu.memref_slice %arg12[%dma_wait3A, %dma_wait3A_164, %dma_wait3A_165] : memref<8x64x128xf32, #tpu.memory_space<vmem>> -> memref<1x64x128xf32, #tpu.memory_space<vmem>>
        %dma_wait3A_167 = tpu.memref_squeeze %dma_wait3A_166 : memref<1x64x128xf32, #tpu.memory_space<vmem>> -> memref<64x128xf32, #tpu.memory_space<vmem>>
        %dma_wait3A_168 = arith.constant 0 : i32
        %dma_wait3A_169 = arith.constant 0 : i32
        %dma_wait3A_170 = tpu.memref_slice %arg2[%dma_wait3A_168, %dma_wait3A_169] : memref<64x1000000xf32, #tpu.memory_space<hbm>> -> memref<64x128xf32, #tpu.memory_space<hbm>>
        tpu.wait_dma2 semaphore(%arg14 : memref<!tpu.dma_semaphore, #tpu.memory_space<semaphore_mem>>) src(%dma_wait3A_170 : memref<64x128xf32, #tpu.memory_space<hbm>>) dst(%dma_wait3A_167 : memref<64x128xf32, #tpu.memory_space<vmem>>)
        %dma_wait3A_171 = arith.constant 5 : i32
        %dma_wait3A_172 = arith.constant 0 : i32
        %dma_wait3A_173 = arith.constant 0 : i32
        %dma_wait3A_174 = tpu.memref_slice %arg12[%dma_wait3A_171, %dma_wait3A_172, %dma_wait3A_173] : memref<8x64x128xf32, #tpu.memory_space<vmem>> -> memref<1x64x128xf32, #tpu.memory_space<vmem>>
        %dma_wait3A_175 = tpu.memref_squeeze %dma_wait3A_174 : memref<1x64x128xf32, #tpu.memory_space<vmem>> -> memref<64x128xf32, #tpu.memory_space<vmem>>
        %dma_wait3A_176 = arith.constant 0 : i32
        %dma_wait3A_177 = arith.constant 0 : i32
        %dma_wait3A_178 = tpu.memref_slice %arg2[%dma_wait3A_176, %dma_wait3A_177] : memref<64x1000000xf32, #tpu.memory_space<hbm>> -> memref<64x128xf32, #tpu.memory_space<hbm>>
        %dma_wait3A_179 = arith.constant 0 : i32
        %dma_wait3A_180 = arith.constant 0 : i32
        %dma_wait3A_181 = tpu.memref_slice %arg12[%dma_wait3A_171, %dma_wait3A_179, %dma_wait3A_180] : memref<8x64x128xf32, #tpu.memory_space<vmem>> -> memref<1x64x128xf32, #tpu.memory_space<vmem>>
        %dma_wait3A_182 = tpu.memref_squeeze %dma_wait3A_181 : memref<1x64x128xf32, #tpu.memory_space<vmem>> -> memref<64x128xf32, #tpu.memory_space<vmem>>
        %dma_wait3A_183 = arith.constant 0 : i32
        %dma_wait3A_184 = arith.constant 0 : i32
        %dma_wait3A_185 = tpu.memref_slice %arg2[%dma_wait3A_183, %dma_wait3A_184] : memref<64x1000000xf32, #tpu.memory_space<hbm>> -> memref<64x128xf32, #tpu.memory_space<hbm>>
        tpu.wait_dma2 semaphore(%arg14 : memref<!tpu.dma_semaphore, #tpu.memory_space<semaphore_mem>>) src(%dma_wait3A_185 : memref<64x128xf32, #tpu.memory_space<hbm>>) dst(%dma_wait3A_182 : memref<64x128xf32, #tpu.memory_space<vmem>>)
        %dma_wait3A_186 = arith.constant 6 : i32
        %dma_wait3A_187 = arith.constant 0 : i32
        %dma_wait3A_188 = arith.constant 0 : i32
        %dma_wait3A_189 = tpu.memref_slice %arg12[%dma_wait3A_186, %dma_wait3A_187, %dma_wait3A_188] : memref<8x64x128xf32, #tpu.memory_space<vmem>> -> memref<1x64x128xf32, #tpu.memory_space<vmem>>
        %dma_wait3A_190 = tpu.memref_squeeze %dma_wait3A_189 : memref<1x64x128xf32, #tpu.memory_space<vmem>> -> memref<64x128xf32, #tpu.memory_space<vmem>>
        %dma_wait3A_191 = arith.constant 0 : i32
        %dma_wait3A_192 = arith.constant 0 : i32
        %dma_wait3A_193 = tpu.memref_slice %arg2[%dma_wait3A_191, %dma_wait3A_192] : memref<64x1000000xf32, #tpu.memory_space<hbm>> -> memref<64x128xf32, #tpu.memory_space<hbm>>
        %dma_wait3A_194 = arith.constant 0 : i32
        %dma_wait3A_195 = arith.constant 0 : i32
        %dma_wait3A_196 = tpu.memref_slice %arg12[%dma_wait3A_186, %dma_wait3A_194, %dma_wait3A_195] : memref<8x64x128xf32, #tpu.memory_space<vmem>> -> memref<1x64x128xf32, #tpu.memory_space<vmem>>
        %dma_wait3A_197 = tpu.memref_squeeze %dma_wait3A_196 : memref<1x64x128xf32, #tpu.memory_space<vmem>> -> memref<64x128xf32, #tpu.memory_space<vmem>>
        %dma_wait3A_198 = arith.constant 0 : i32
        %dma_wait3A_199 = arith.constant 0 : i32
        %dma_wait3A_200 = tpu.memref_slice %arg2[%dma_wait3A_198, %dma_wait3A_199] : memref<64x1000000xf32, #tpu.memory_space<hbm>> -> memref<64x128xf32, #tpu.memory_space<hbm>>
        tpu.wait_dma2 semaphore(%arg14 : memref<!tpu.dma_semaphore, #tpu.memory_space<semaphore_mem>>) src(%dma_wait3A_200 : memref<64x128xf32, #tpu.memory_space<hbm>>) dst(%dma_wait3A_197 : memref<64x128xf32, #tpu.memory_space<vmem>>)
        %dma_wait3A_201 = arith.constant 7 : i32
        %dma_wait3A_202 = arith.constant 0 : i32
        %dma_wait3A_203 = arith.constant 0 : i32
        %dma_wait3A_204 = tpu.memref_slice %arg12[%dma_wait3A_201, %dma_wait3A_202, %dma_wait3A_203] : memref<8x64x128xf32, #tpu.memory_space<vmem>> -> memref<1x64x128xf32, #tpu.memory_space<vmem>>
        %dma_wait3A_205 = tpu.memref_squeeze %dma_wait3A_204 : memref<1x64x128xf32, #tpu.memory_space<vmem>> -> memref<64x128xf32, #tpu.memory_space<vmem>>
        %dma_wait3A_206 = arith.constant 0 : i32
        %dma_wait3A_207 = arith.constant 0 : i32
        %dma_wait3A_208 = tpu.memref_slice %arg2[%dma_wait3A_206, %dma_wait3A_207] : memref<64x1000000xf32, #tpu.memory_space<hbm>> -> memref<64x128xf32, #tpu.memory_space<hbm>>
        %dma_wait3A_209 = arith.constant 0 : i32
        %dma_wait3A_210 = arith.constant 0 : i32
        %dma_wait3A_211 = tpu.memref_slice %arg12[%dma_wait3A_201, %dma_wait3A_209, %dma_wait3A_210] : memref<8x64x128xf32, #tpu.memory_space<vmem>> -> memref<1x64x128xf32, #tpu.memory_space<vmem>>
        %dma_wait3A_212 = tpu.memref_squeeze %dma_wait3A_211 : memref<1x64x128xf32, #tpu.memory_space<vmem>> -> memref<64x128xf32, #tpu.memory_space<vmem>>
        %dma_wait3A_213 = arith.constant 0 : i32
        %dma_wait3A_214 = arith.constant 0 : i32
        %dma_wait3A_215 = tpu.memref_slice %arg2[%dma_wait3A_213, %dma_wait3A_214] : memref<64x1000000xf32, #tpu.memory_space<hbm>> -> memref<64x128xf32, #tpu.memory_space<hbm>>
        tpu.wait_dma2 semaphore(%arg14 : memref<!tpu.dma_semaphore, #tpu.memory_space<semaphore_mem>>) src(%dma_wait3A_215 : memref<64x128xf32, #tpu.memory_space<hbm>>) dst(%dma_wait3A_212 : memref<64x128xf32, #tpu.memory_space<vmem>>)
        %add3A_216 = arith.constant 1 : i32
        %add3A_217 = arith.addi %scan3A_124, %add3A_216 : i32
        %lt3A_218 = arith.constant 62 : i32
        %lt3A_219 = arith.cmpi slt, %add3A_217, %lt3A_218 : i32
        %convert_element_type3A_220 = arith.extui %lt3A_219 : i1 to i32
        %cond3A_221 = arith.constant 0 : i32
        %cond3A_222 = arith.cmpi ne, %convert_element_type3A_220, %cond3A_221 : i32
        scf.if %cond3A_222 {
          %add3A_223 = arith.constant 1 : i32
          %add3A_224 = arith.addi %scan3A_124, %add3A_223 : i32
          %mul3A_225 = arith.constant 4 : i32
          %mul3A_226 = arith.muli %add3A_224, %mul3A_225 : i32
          %add3A_227 = arith.addi %mul3A_2, %mul3A_226 : i32
          %add3A_228 = arith.constant 0 : i32
          %add3A_229 = arith.addi %add3A_227, %add3A_228 : i32
          %min3A_230 = arith.constant 7812 : i32
          %min3A_231 = arith.minsi %add3A_229, %min3A_230 : i32
          %mul3A_232 = arith.constant 128 : i32
          %mul3A_233 = arith.muli %min3A_231, %mul3A_232 : i32
          %multiple_of3A_234 = tpu.assume_multiple %mul3A_233, 128 : i32
          %dma_start3A_235 = arith.constant 0 : i32
          %dma_start3A_236 = arith.constant 0 : i32
          %dma_start3A_237 = arith.constant 0 : i32
          %dma_start3A_238 = tpu.memref_slice %arg12[%dma_start3A_235, %dma_start3A_236, %dma_start3A_237] : memref<8x64x128xf32, #tpu.memory_space<vmem>> -> memref<1x64x128xf32, #tpu.memory_space<vmem>>
          %dma_start3A_239 = tpu.memref_squeeze %dma_start3A_238 : memref<1x64x128xf32, #tpu.memory_space<vmem>> -> memref<64x128xf32, #tpu.memory_space<vmem>>
          %dma_start3A_240 = arith.constant 0 : i32
          %dma_start3A_241 = tpu.memref_slice %arg2[%dma_start3A_240, %multiple_of3A_234] : memref<64x1000000xf32, #tpu.memory_space<hbm>> -> memref<64x128xf32, #tpu.memory_space<hbm>>
          %dma_start3A_242 = arith.constant 0 : i32
          %dma_start3A_243 = arith.constant 0 : i32
          %dma_start3A_244 = tpu.memref_slice %arg12[%dma_start3A_235, %dma_start3A_242, %dma_start3A_243] : memref<8x64x128xf32, #tpu.memory_space<vmem>> -> memref<1x64x128xf32, #tpu.memory_space<vmem>>
          %dma_start3A_245 = tpu.memref_squeeze %dma_start3A_244 : memref<1x64x128xf32, #tpu.memory_space<vmem>> -> memref<64x128xf32, #tpu.memory_space<vmem>>
          %dma_start3A_246 = arith.constant 0 : i32
          %dma_start3A_247 = tpu.memref_slice %arg2[%dma_start3A_246, %multiple_of3A_234] : memref<64x1000000xf32, #tpu.memory_space<hbm>> -> memref<64x128xf32, #tpu.memory_space<hbm>>
          tpu.enqueue_dma source(%dma_start3A_247 : memref<64x128xf32, #tpu.memory_space<hbm>>) target(%dma_start3A_245 : memref<64x128xf32, #tpu.memory_space<vmem>>) target_semaphore(%arg13 : memref<!tpu.dma_semaphore, #tpu.memory_space<semaphore_mem>>)
          %mul3A_248 = arith.constant 4 : i32
          %mul3A_249 = arith.muli %add3A_224, %mul3A_248 : i32
          %add3A_250 = arith.addi %mul3A_2, %mul3A_249 : i32
          %add3A_251 = arith.constant 1 : i32
          %add3A_252 = arith.addi %add3A_250, %add3A_251 : i32
          %min3A_253 = arith.constant 7812 : i32
          %min3A_254 = arith.minsi %add3A_252, %min3A_253 : i32
          %mul3A_255 = arith.constant 128 : i32
          %mul3A_256 = arith.muli %min3A_254, %mul3A_255 : i32
          %multiple_of3A_257 = tpu.assume_multiple %mul3A_256, 128 : i32
          %dma_start3A_258 = arith.constant 1 : i32
          %dma_start3A_259 = arith.constant 0 : i32
          %dma_start3A_260 = arith.constant 0 : i32
          %dma_start3A_261 = tpu.memref_slice %arg12[%dma_start3A_258, %dma_start3A_259, %dma_start3A_260] : memref<8x64x128xf32, #tpu.memory_space<vmem>> -> memref<1x64x128xf32, #tpu.memory_space<vmem>>
          %dma_start3A_262 = tpu.memref_squeeze %dma_start3A_261 : memref<1x64x128xf32, #tpu.memory_space<vmem>> -> memref<64x128xf32, #tpu.memory_space<vmem>>
          %dma_start3A_263 = arith.constant 0 : i32
          %dma_start3A_264 = tpu.memref_slice %arg2[%dma_start3A_263, %multiple_of3A_257] : memref<64x1000000xf32, #tpu.memory_space<hbm>> -> memref<64x128xf32, #tpu.memory_space<hbm>>
          %dma_start3A_265 = arith.constant 0 : i32
          %dma_start3A_266 = arith.constant 0 : i32
          %dma_start3A_267 = tpu.memref_slice %arg12[%dma_start3A_258, %dma_start3A_265, %dma_start3A_266] : memref<8x64x128xf32, #tpu.memory_space<vmem>> -> memref<1x64x128xf32, #tpu.memory_space<vmem>>
          %dma_start3A_268 = tpu.memref_squeeze %dma_start3A_267 : memref<1x64x128xf32, #tpu.memory_space<vmem>> -> memref<64x128xf32, #tpu.memory_space<vmem>>
          %dma_start3A_269 = arith.constant 0 : i32
          %dma_start3A_270 = tpu.memref_slice %arg2[%dma_start3A_269, %multiple_of3A_257] : memref<64x1000000xf32, #tpu.memory_space<hbm>> -> memref<64x128xf32, #tpu.memory_space<hbm>>
          tpu.enqueue_dma source(%dma_start3A_270 : memref<64x128xf32, #tpu.memory_space<hbm>>) target(%dma_start3A_268 : memref<64x128xf32, #tpu.memory_space<vmem>>) target_semaphore(%arg13 : memref<!tpu.dma_semaphore, #tpu.memory_space<semaphore_mem>>)
          %mul3A_271 = arith.constant 4 : i32
          %mul3A_272 = arith.muli %add3A_224, %mul3A_271 : i32
          %add3A_273 = arith.addi %mul3A_2, %mul3A_272 : i32
          %add3A_274 = arith.constant 2 : i32
          %add3A_275 = arith.addi %add3A_273, %add3A_274 : i32
          %min3A_276 = arith.constant 7812 : i32
          %min3A_277 = arith.minsi %add3A_275, %min3A_276 : i32
          %mul3A_278 = arith.constant 128 : i32
          %mul3A_279 = arith.muli %min3A_277, %mul3A_278 : i32
          %multiple_of3A_280 = tpu.assume_multiple %mul3A_279, 128 : i32
          %dma_start3A_281 = arith.constant 2 : i32
          %dma_start3A_282 = arith.constant 0 : i32
          %dma_start3A_283 = arith.constant 0 : i32
          %dma_start3A_284 = tpu.memref_slice %arg12[%dma_start3A_281, %dma_start3A_282, %dma_start3A_283] : memref<8x64x128xf32, #tpu.memory_space<vmem>> -> memref<1x64x128xf32, #tpu.memory_space<vmem>>
          %dma_start3A_285 = tpu.memref_squeeze %dma_start3A_284 : memref<1x64x128xf32, #tpu.memory_space<vmem>> -> memref<64x128xf32, #tpu.memory_space<vmem>>
          %dma_start3A_286 = arith.constant 0 : i32
          %dma_start3A_287 = tpu.memref_slice %arg2[%dma_start3A_286, %multiple_of3A_280] : memref<64x1000000xf32, #tpu.memory_space<hbm>> -> memref<64x128xf32, #tpu.memory_space<hbm>>
          %dma_start3A_288 = arith.constant 0 : i32
          %dma_start3A_289 = arith.constant 0 : i32
          %dma_start3A_290 = tpu.memref_slice %arg12[%dma_start3A_281, %dma_start3A_288, %dma_start3A_289] : memref<8x64x128xf32, #tpu.memory_space<vmem>> -> memref<1x64x128xf32, #tpu.memory_space<vmem>>
          %dma_start3A_291 = tpu.memref_squeeze %dma_start3A_290 : memref<1x64x128xf32, #tpu.memory_space<vmem>> -> memref<64x128xf32, #tpu.memory_space<vmem>>
          %dma_start3A_292 = arith.constant 0 : i32
          %dma_start3A_293 = tpu.memref_slice %arg2[%dma_start3A_292, %multiple_of3A_280] : memref<64x1000000xf32, #tpu.memory_space<hbm>> -> memref<64x128xf32, #tpu.memory_space<hbm>>
          tpu.enqueue_dma source(%dma_start3A_293 : memref<64x128xf32, #tpu.memory_space<hbm>>) target(%dma_start3A_291 : memref<64x128xf32, #tpu.memory_space<vmem>>) target_semaphore(%arg13 : memref<!tpu.dma_semaphore, #tpu.memory_space<semaphore_mem>>)
          %mul3A_294 = arith.constant 4 : i32
          %mul3A_295 = arith.muli %add3A_224, %mul3A_294 : i32
          %add3A_296 = arith.addi %mul3A_2, %mul3A_295 : i32
          %add3A_297 = arith.constant 3 : i32
          %add3A_298 = arith.addi %add3A_296, %add3A_297 : i32
          %min3A_299 = arith.constant 7812 : i32
          %min3A_300 = arith.minsi %add3A_298, %min3A_299 : i32
          %mul3A_301 = arith.constant 128 : i32
          %mul3A_302 = arith.muli %min3A_300, %mul3A_301 : i32
          %multiple_of3A_303 = tpu.assume_multiple %mul3A_302, 128 : i32
          %dma_start3A_304 = arith.constant 3 : i32
          %dma_start3A_305 = arith.constant 0 : i32
          %dma_start3A_306 = arith.constant 0 : i32
          %dma_start3A_307 = tpu.memref_slice %arg12[%dma_start3A_304, %dma_start3A_305, %dma_start3A_306] : memref<8x64x128xf32, #tpu.memory_space<vmem>> -> memref<1x64x128xf32, #tpu.memory_space<vmem>>
          %dma_start3A_308 = tpu.memref_squeeze %dma_start3A_307 : memref<1x64x128xf32, #tpu.memory_space<vmem>> -> memref<64x128xf32, #tpu.memory_space<vmem>>
          %dma_start3A_309 = arith.constant 0 : i32
          %dma_start3A_310 = tpu.memref_slice %arg2[%dma_start3A_309, %multiple_of3A_303] : memref<64x1000000xf32, #tpu.memory_space<hbm>> -> memref<64x128xf32, #tpu.memory_space<hbm>>
          %dma_start3A_311 = arith.constant 0 : i32
          %dma_start3A_312 = arith.constant 0 : i32
          %dma_start3A_313 = tpu.memref_slice %arg12[%dma_start3A_304, %dma_start3A_311, %dma_start3A_312] : memref<8x64x128xf32, #tpu.memory_space<vmem>> -> memref<1x64x128xf32, #tpu.memory_space<vmem>>
          %dma_start3A_314 = tpu.memref_squeeze %dma_start3A_313 : memref<1x64x128xf32, #tpu.memory_space<vmem>> -> memref<64x128xf32, #tpu.memory_space<vmem>>
          %dma_start3A_315 = arith.constant 0 : i32
          %dma_start3A_316 = tpu.memref_slice %arg2[%dma_start3A_315, %multiple_of3A_303] : memref<64x1000000xf32, #tpu.memory_space<hbm>> -> memref<64x128xf32, #tpu.memory_space<hbm>>
          tpu.enqueue_dma source(%dma_start3A_316 : memref<64x128xf32, #tpu.memory_space<hbm>>) target(%dma_start3A_314 : memref<64x128xf32, #tpu.memory_space<vmem>>) target_semaphore(%arg13 : memref<!tpu.dma_semaphore, #tpu.memory_space<semaphore_mem>>)
        } else {
        }
      } else {
      }
      %mul3A_143 = arith.constant 4 : i32
      %mul3A_144 = arith.muli %scan3A_124, %mul3A_143 : i32
      %add3A_145 = arith.addi %mul3A_2, %mul3A_144 : i32
      %while3A_146 = arith.constant 0 : i32
      %while3A_147 = arith.subi %shift_right_arithmetic3A_13, %while3A_146 : i32
      %while3A_148 = arith.addi %while3A_146, %while3A_147 : i32
      %while3A_149 = arith.constant 1 : i32
      %while3A_150 = arith.divsi %while3A_147, %while3A_149 : i32
      %while3A_151 = arith.muli %while3A_150, %while3A_149 : i32
      %while3A_152 = arith.addi %while3A_146, %while3A_151 : i32
      %while3A_153 = arith.constant 1 : i32
      %while3A_154 = scf.for %while3A_157 = %while3A_146 to %while3A_152 step %while3A_153 iter_args(%while3A_158 = %scan3A_125) -> (i32)  : i32 {
        %mul3A_159 = arith.constant 16 : i32
        %mul3A_160 = arith.muli %while3A_157, %mul3A_159 : i32
        %get3A = arith.index_cast %mul3A_160 : i32 to index
        %get3A_161 = tpu.vector_load %arg6[%get3A] {strides = array<i32>} : memref<1040xi32, #tpu.memory_space<vmem>>, vector<16xi32>,
        %mul3A_162 = arith.constant 16 : i32
        %mul3A_163 = arith.muli %while3A_157, %mul3A_162 : i32
        %add3A_164 = vector.broadcast %mul3A_163 : i32 to vector<16xi32>
        %add3A_165 = arith.addi %iota3A, %add3A_164 : vector<16xi32>
        %lt3A_166 = vector.broadcast %scan3A_9 : i32 to vector<16xi32>
        %lt3A_167 = arith.cmpi slt, %add3A_165, %lt3A_166 : vector<16xi32>
        %shift_right_arithmetic3A_168 = arith.constant 7 : i32
        %shift_right_arithmetic3A_169 = vector.broadcast %shift_right_arithmetic3A_168 : i32 to vector<16xi32>
        %shift_right_arithmetic3A_170 = arith.shrsi %get3A_161, %shift_right_arithmetic3A_169 : vector<16xi32>
        %sub3A = vector.broadcast %add3A_145 : i32 to vector<16xi32>
        %sub3A_171 = arith.subi %shift_right_arithmetic3A_170, %sub3A : vector<16xi32>
        %ge3A = arith.constant 0 : i32
        %ge3A_172 = vector.broadcast %ge3A : i32 to vector<16xi32>
        %ge3A_173 = arith.cmpi sge, %sub3A_171, %ge3A_172 : vector<16xi32>
        %lt3A_174 = arith.constant 4 : i32
        %lt3A_175 = vector.broadcast %lt3A_174 : i32 to vector<16xi32>
        %lt3A_176 = arith.cmpi slt, %sub3A_171, %lt3A_175 : vector<16xi32>
        %and3A_177 = arith.andi %ge3A_173, %lt3A_176 : vector<16xi1>
        %and3A_178 = arith.andi %and3A_177, %lt3A_167 : vector<16xi1>
        %all_reduce_population_count3A = tpu.all_reduce %and3A_178 {dim = 0 : i64, kind = #tpu.reduction_kind<sum>} : vector<16xi1> -> vector<16xi32>
        %slice3A = vector.extract_strided_slice %all_reduce_population_count3A {offsets = [0], sizes = [1], strides = [1]} : vector<16xi32> to vector<1xi32>
        %squeeze3A = vector.extract %slice3A[0] : i32 from vector<1xi32>
        %while3A_179 = arith.constant 0 : i32
        %while3A_180 = arith.subi %squeeze3A, %while3A_179 : i32
        %while3A_181 = arith.addi %while3A_179, %while3A_180 : i32
        %while3A_182 = arith.constant 1 : i32
        %while3A_183 = arith.divsi %while3A_180, %while3A_182 : i32
        %while3A_184 = arith.muli %while3A_183, %while3A_182 : i32
        %while3A_185 = arith.addi %while3A_179, %while3A_184 : i32
        %while3A_186 = arith.constant 1 : i32
        %while3A_187 = scf.for %while3A_190 = %while3A_179 to %while3A_185 step %while3A_186 iter_args(%while3A_191 = %while3A_158) -> (i32)  : i32 {
          %swap3A = arith.constant 0 : index
          %swap3A_192 = tpu.vector_load %arg8[%swap3A] masked %and3A_178 {strides = array<i32>} : memref<16xi32, #tpu.memory_space<vmem>>, vector<16xi32>, vector<16xi1>
          tpu.vector_store %arg8[%swap3A], %get3A_161 masked %and3A_178 {strides = array<i32>} : memref<16xi32, #tpu.memory_space<vmem>>, vector<16xi32>, vector<16xi1>
          %mul3A_193 = arith.constant 4 : i32
          %mul3A_194 = arith.muli %select_n3A_134, %mul3A_193 : i32
          %add3A_195 = vector.broadcast %mul3A_194 : i32 to vector<16xi32>
          %add3A_196 = arith.addi %sub3A_171, %add3A_195 : vector<16xi32>
          %swap3A_197 = arith.constant 0 : index
          %swap3A_198 = tpu.vector_load %arg10[%swap3A_197] masked %and3A_178 {strides = array<i32>} : memref<16xi32, #tpu.memory_space<vmem>>, vector<16xi32>, vector<16xi1>
          tpu.vector_store %arg10[%swap3A_197], %add3A_196 masked %and3A_178 {strides = array<i32>} : memref<16xi32, #tpu.memory_space<vmem>>, vector<16xi32>, vector<16xi1>
          %mul3A_199 = arith.constant 16 : i32
          %mul3A_200 = arith.muli %while3A_157, %mul3A_199 : i32
          %get3A_201 = arith.index_cast %mul3A_200 : i32 to index
          %get3A_202 = tpu.vector_load %arg7[%get3A_201] {strides = array<i32>} : memref<1040xi32, #tpu.memory_space<vmem>>, vector<16xi32>,
          %swap3A_203 = arith.constant 0 : index
          %swap3A_204 = tpu.vector_load %arg9[%swap3A_203] masked %and3A_178 {strides = array<i32>} : memref<16xi32, #tpu.memory_space<vmem>>, vector<16xi32>, vector<16xi1>
          tpu.vector_store %arg9[%swap3A_203], %get3A_202 masked %and3A_178 {strides = array<i32>} : memref<16xi32, #tpu.memory_space<vmem>>, vector<16xi32>, vector<16xi1>
          %broadcast_in_dim3A = vector.broadcast %while3A_190 : i32 to vector<16xi32>
          %get3A_205 = arith.constant 0 : index
          %get3A_206 = tpu.vector_load %arg8[%get3A_205] {strides = array<i32>} : memref<16xi32, #tpu.memory_space<vmem>>, vector<16xi32>,
          %lt3A_207 = arith.constant 0 : i32
          %lt3A_208 = vector.broadcast %lt3A_207 : i32 to vector<16xi32>
          %lt3A_209 = arith.cmpi slt, %broadcast_in_dim3A, %lt3A_208 : vector<16xi32>
          %add3A_210 = arith.constant 16 : i32
          %add3A_211 = vector.broadcast %add3A_210 : i32 to vector<16xi32>
          %add3A_212 = arith.addi %broadcast_in_dim3A, %add3A_211 : vector<16xi32>
          %select_n3A_213 = arith.select %lt3A_209, %add3A_212, %broadcast_in_dim3A : vector<16xi1>, vector<16xi32>
          %broadcast_in_dim3A_214 = vector.shape_cast %select_n3A_213 : vector<16xi32> to vector<16x1xi32>
          %gather3A = vector.shape_cast %broadcast_in_dim3A_214 : vector<16x1xi32> to vector<16xi32>
          %gather3A_215 = tpu.dynamic_gather %get3A_206[%gather3A] in [0] : vector<16xi32>, vector<16xi32> -> vector<16xi32>
          %and3A_216 = arith.constant 127 : i32
          %and3A_217 = vector.broadcast %and3A_216 : i32 to vector<16xi32>
          %and3A_218 = arith.andi %gather3A_215, %and3A_217 : vector<16xi32>
          %get3A_219 = arith.constant 0 : index
          %get3A_220 = tpu.vector_load %arg10[%get3A_219] {strides = array<i32>} : memref<16xi32, #tpu.memory_space<vmem>>, vector<16xi32>,
          %lt3A_221 = arith.constant 0 : i32
          %lt3A_222 = vector.broadcast %lt3A_221 : i32 to vector<16xi32>
          %lt3A_223 = arith.cmpi slt, %broadcast_in_dim3A, %lt3A_222 : vector<16xi32>
          %add3A_224 = arith.constant 16 : i32
          %add3A_225 = vector.broadcast %add3A_224 : i32 to vector<16xi32>
          %add3A_226 = arith.addi %broadcast_in_dim3A, %add3A_225 : vector<16xi32>
          %select_n3A_227 = arith.select %lt3A_223, %add3A_226, %broadcast_in_dim3A : vector<16xi1>, vector<16xi32>
          %broadcast_in_dim3A_228 = vector.shape_cast %select_n3A_227 : vector<16xi32> to vector<16x1xi32>
          %gather3A_229 = vector.shape_cast %broadcast_in_dim3A_228 : vector<16x1xi32> to vector<16xi32>
          %gather3A_230 = tpu.dynamic_gather %get3A_220[%gather3A_229] in [0] : vector<16xi32>, vector<16xi32> -> vector<16xi32>
          %jit3A_231 = arith.constant 16 : i32
          %eq3A_232 = arith.constant 0 : i32
          %eq3A_233 = arith.cmpi eq, %jit3A_231, %eq3A_232 : i32
          %jit3A_234 = arith.constant 1 : i32
          %select_n3A_235 = arith.select %eq3A_233, %jit3A_234, %jit3A_231 : i32
          %rem3A_236 = arith.remsi %while3A_191, %select_n3A_235 : i32
          %ne3A_237 = arith.constant 0 : i32
          %ne3A_238 = arith.cmpi ne, %rem3A_236, %ne3A_237 : i32
          %lt3A_239 = arith.constant 0 : i32
          %lt3A_240 = arith.cmpi slt, %rem3A_236, %lt3A_239 : i32
          %lt3A_241 = arith.constant 0 : i32
          %lt3A_242 = arith.cmpi slt, %select_n3A_235, %lt3A_241 : i32
          %ne3A_243 = arith.xori %lt3A_240, %lt3A_242 : i1
          %and3A_244 = arith.andi %ne3A_243, %ne3A_238 : i1
          %add3A_245 = arith.addi %rem3A_236, %select_n3A_235 : i32
          %select_n3A_246 = arith.select %and3A_244, %add3A_245, %rem3A_236 : i32
          %ge3A_247 = arith.constant 16 : i32
          %ge3A_248 = arith.cmpi sge, %while3A_191, %ge3A_247 : i32
          %convert_element_type3A_249 = arith.extui %ge3A_248 : i1 to i32
          %cond3A_250 = arith.constant 0 : i32
          %cond3A_251 = arith.cmpi ne, %convert_element_type3A_249, %cond3A_250 : i32
          scf.if %cond3A_251 {
            %dma_wait3A = arith.constant 0 : i32
            %dma_wait3A_308 = arith.constant 0 : i32
            %dma_wait3A_309 = arith.constant 0 : i32
            %dma_wait3A_310 = tpu.memref_slice %arg11[%dma_wait3A_308, %dma_wait3A_309] : memref<16x64xf32, #tpu.memory_space<vmem>> -> memref<1x64xf32, #tpu.memory_space<vmem>>
            %dma_wait3A_311 = tpu.memref_squeeze %dma_wait3A_310 : memref<1x64xf32, #tpu.memory_space<vmem>> -> memref<64xf32, #tpu.memory_space<vmem>>
            %dma_wait3A_312 = arith.constant 0 : i32
            %dma_wait3A_313 = tpu.memref_slice %arg4[%dma_wait3A, %dma_wait3A_312] : memref<16384x64xf32, #tpu.memory_space<hbm>> -> memref<1x64xf32, #tpu.memory_space<hbm>>
            %dma_wait3A_314 = tpu.memref_squeeze %dma_wait3A_313 : memref<1x64xf32, #tpu.memory_space<hbm>> -> memref<64xf32, #tpu.memory_space<hbm>>
            %dma_wait3A_315 = arith.constant 0 : i32
            %dma_wait3A_316 = tpu.memref_slice %arg11[%dma_wait3A_308, %dma_wait3A_315] : memref<16x64xf32, #tpu.memory_space<vmem>> -> memref<1x64xf32, #tpu.memory_space<vmem>>
            %dma_wait3A_317 = tpu.memref_squeeze %dma_wait3A_316 : memref<1x64xf32, #tpu.memory_space<vmem>> -> memref<64xf32, #tpu.memory_space<vmem>>
            %dma_wait3A_318 = arith.constant 0 : i32
            %dma_wait3A_319 = tpu.memref_slice %arg4[%dma_wait3A, %dma_wait3A_318] : memref<16384x64xf32, #tpu.memory_space<hbm>> -> memref<1x64xf32, #tpu.memory_space<hbm>>
            %dma_wait3A_320 = tpu.memref_squeeze %dma_wait3A_319 : memref<1x64xf32, #tpu.memory_space<hbm>> -> memref<64xf32, #tpu.memory_space<hbm>>
            tpu.wait_dma2 semaphore(%arg15 : memref<!tpu.dma_semaphore, #tpu.memory_space<semaphore_mem>>) src(%dma_wait3A_320 : memref<64xf32, #tpu.memory_space<hbm>>) dst(%dma_wait3A_317 : memref<64xf32, #tpu.memory_space<vmem>>)
          } else {
          }
          %add3A_252 = arith.constant 0 : i32
          %add3A_253 = vector.broadcast %add3A_252 : i32 to vector<16xi32>
          %add3A_254 = arith.addi %iota3A, %add3A_253 : vector<16xi32>
          %gather3A_255 = tpu.vector_load_idx %arg12[%gather3A_230, %add3A_254, %and3A_218] : memref<8x64x128xf32, #tpu.memory_space<vmem>>[vector<16xi32>, vector<16xi32>, vector<16xi32>], vector<16xf32>,
          %swap3A_256 = arith.index_cast %select_n3A_246 : i32 to index
          %swap3A_257 = arith.constant 0 : index
          %swap3A_258 = tpu.vector_load %arg11[%swap3A_256, %swap3A_257] {strides = array<i32>} : memref<16x64xf32, #tpu.memory_space<vmem>>, vector<16xf32>,
          tpu.vector_store %arg11[%swap3A_256, %swap3A_257], %gather3A_255 {strides = array<i32>} : memref<16x64xf32, #tpu.memory_space<vmem>>, vector<16xf32>,
          %add3A_259 = arith.constant 16 : i32
          %add3A_260 = vector.broadcast %add3A_259 : i32 to vector<16xi32>
          %add3A_261 = arith.addi %iota3A, %add3A_260 : vector<16xi32>
          %gather3A_262 = tpu.vector_load_idx %arg12[%gather3A_230, %add3A_261, %and3A_218] : memref<8x64x128xf32, #tpu.memory_space<vmem>>[vector<16xi32>, vector<16xi32>, vector<16xi32>], vector<16xf32>,
          %swap3A_263 = arith.index_cast %select_n3A_246 : i32 to index
          %swap3A_264 = arith.constant 16 : index
          %swap3A_265 = tpu.vector_load %arg11[%swap3A_263, %swap3A_264] {strides = array<i32>} : memref<16x64xf32, #tpu.memory_space<vmem>>, vector<16xf32>,
          tpu.vector_store %arg11[%swap3A_263, %swap3A_264], %gather3A_262 {strides = array<i32>} : memref<16x64xf32, #tpu.memory_space<vmem>>, vector<16xf32>,
          %add3A_266 = arith.constant 32 : i32
          %add3A_267 = vector.broadcast %add3A_266 : i32 to vector<16xi32>
          %add3A_268 = arith.addi %iota3A, %add3A_267 : vector<16xi32>
          %gather3A_269 = tpu.vector_load_idx %arg12[%gather3A_230, %add3A_268, %and3A_218] : memref<8x64x128xf32, #tpu.memory_space<vmem>>[vector<16xi32>, vector<16xi32>, vector<16xi32>], vector<16xf32>,
          %swap3A_270 = arith.index_cast %select_n3A_246 : i32 to index
          %swap3A_271 = arith.constant 32 : index
          %swap3A_272 = tpu.vector_load %arg11[%swap3A_270, %swap3A_271] {strides = array<i32>} : memref<16x64xf32, #tpu.memory_space<vmem>>, vector<16xf32>,
          tpu.vector_store %arg11[%swap3A_270, %swap3A_271], %gather3A_269 {strides = array<i32>} : memref<16x64xf32, #tpu.memory_space<vmem>>, vector<16xf32>,
          %add3A_273 = arith.constant 48 : i32
          %add3A_274 = vector.broadcast %add3A_273 : i32 to vector<16xi32>
          %add3A_275 = arith.addi %iota3A, %add3A_274 : vector<16xi32>
          %gather3A_276 = tpu.vector_load_idx %arg12[%gather3A_230, %add3A_275, %and3A_218] : memref<8x64x128xf32, #tpu.memory_space<vmem>>[vector<16xi32>, vector<16xi32>, vector<16xi32>], vector<16xf32>,
          %swap3A_277 = arith.index_cast %select_n3A_246 : i32 to index
          %swap3A_278 = arith.constant 48 : index
          %swap3A_279 = tpu.vector_load %arg11[%swap3A_277, %swap3A_278] {strides = array<i32>} : memref<16x64xf32, #tpu.memory_space<vmem>>, vector<16xf32>,
          tpu.vector_store %arg11[%swap3A_277, %swap3A_278], %gather3A_276 {strides = array<i32>} : memref<16x64xf32, #tpu.memory_space<vmem>>, vector<16xf32>,
          %get3A_280 = arith.constant 0 : index
          %get3A_281 = tpu.vector_load %arg9[%get3A_280] {strides = array<i32>} : memref<16xi32, #tpu.memory_space<vmem>>, vector<16xi32>,
          %lt3A_282 = arith.constant 0 : i32
          %lt3A_283 = vector.broadcast %lt3A_282 : i32 to vector<16xi32>
          %lt3A_284 = arith.cmpi slt, %broadcast_in_dim3A, %lt3A_283 : vector<16xi32>
          %add3A_285 = arith.constant 16 : i32
          %add3A_286 = vector.broadcast %add3A_285 : i32 to vector<16xi32>
          %add3A_287 = arith.addi %broadcast_in_dim3A, %add3A_286 : vector<16xi32>
          %select_n3A_288 = arith.select %lt3A_284, %add3A_287, %broadcast_in_dim3A : vector<16xi1>, vector<16xi32>
          %broadcast_in_dim3A_289 = vector.shape_cast %select_n3A_288 : vector<16xi32> to vector<16x1xi32>
          %gather3A_290 = vector.shape_cast %broadcast_in_dim3A_289 : vector<16x1xi32> to vector<16xi32>
          %gather3A_291 = tpu.dynamic_gather %get3A_281[%gather3A_290] in [0] : vector<16xi32>, vector<16xi32> -> vector<16xi32>
          %slice3A_292 = vector.extract_strided_slice %gather3A_291 {offsets = [0], sizes = [1], strides = [1]} : vector<16xi32> to vector<1xi32>
          %squeeze3A_293 = vector.extract %slice3A_292[0] : i32 from vector<1xi32>
          %dma_start3A_294 = arith.constant 0 : i32
          %dma_start3A_295 = tpu.memref_slice %arg11[%select_n3A_246, %dma_start3A_294] : memref<16x64xf32, #tpu.memory_space<vmem>> -> memref<1x64xf32, #tpu.memory_space<vmem>>
          %dma_start3A_296 = tpu.memref_squeeze %dma_start3A_295 : memref<1x64xf32, #tpu.memory_space<vmem>> -> memref<64xf32, #tpu.memory_space<vmem>>
          %dma_start3A_297 = arith.constant 0 : i32
          %dma_start3A_298 = tpu.memref_slice %arg4[%squeeze3A_293, %dma_start3A_297] : memref<16384x64xf32, #tpu.memory_space<hbm>> -> memref<1x64xf32, #tpu.memory_space<hbm>>
          %dma_start3A_299 = tpu.memref_squeeze %dma_start3A_298 : memref<1x64xf32, #tpu.memory_space<hbm>> -> memref<64xf32, #tpu.memory_space<hbm>>
          %dma_start3A_300 = arith.constant 0 : i32
          %dma_start3A_301 = tpu.memref_slice %arg4[%squeeze3A_293, %dma_start3A_300] : memref<16384x64xf32, #tpu.memory_space<hbm>> -> memref<1x64xf32, #tpu.memory_space<hbm>>
          %dma_start3A_302 = tpu.memref_squeeze %dma_start3A_301 : memref<1x64xf32, #tpu.memory_space<hbm>> -> memref<64xf32, #tpu.memory_space<hbm>>
          %dma_start3A_303 = arith.constant 0 : i32
          %dma_start3A_304 = tpu.memref_slice %arg11[%select_n3A_246, %dma_start3A_303] : memref<16x64xf32, #tpu.memory_space<vmem>> -> memref<1x64xf32, #tpu.memory_space<vmem>>
          %dma_start3A_305 = tpu.memref_squeeze %dma_start3A_304 : memref<1x64xf32, #tpu.memory_space<vmem>> -> memref<64xf32, #tpu.memory_space<vmem>>
          tpu.enqueue_dma source(%dma_start3A_305 : memref<64xf32, #tpu.memory_space<vmem>>) target(%dma_start3A_302 : memref<64xf32, #tpu.memory_space<hbm>>) target_semaphore(%arg15 : memref<!tpu.dma_semaphore, #tpu.memory_space<semaphore_mem>>)
          %add3A_306 = arith.constant 1 : i32
          %add3A_307 = arith.addi %while3A_191, %add3A_306 : i32
          scf.yield %add3A_307 : i32
        }
        %while3A_188 = arith.constant 1 : i32
        %while3A_189 = scf.for %while3A_190 = %while3A_185 to %while3A_181 step %while3A_188 iter_args(%while3A_191 = %while3A_187) -> (i32)  : i32 {
          %swap3A = arith.constant 0 : index
          %swap3A_192 = tpu.vector_load %arg8[%swap3A] masked %and3A_178 {strides = array<i32>} : memref<16xi32, #tpu.memory_space<vmem>>, vector<16xi32>, vector<16xi1>
          tpu.vector_store %arg8[%swap3A], %get3A_161 masked %and3A_178 {strides = array<i32>} : memref<16xi32, #tpu.memory_space<vmem>>, vector<16xi32>, vector<16xi1>
          %mul3A_193 = arith.constant 4 : i32
          %mul3A_194 = arith.muli %select_n3A_134, %mul3A_193 : i32
          %add3A_195 = vector.broadcast %mul3A_194 : i32 to vector<16xi32>
          %add3A_196 = arith.addi %sub3A_171, %add3A_195 : vector<16xi32>
          %swap3A_197 = arith.constant 0 : index
          %swap3A_198 = tpu.vector_load %arg10[%swap3A_197] masked %and3A_178 {strides = array<i32>} : memref<16xi32, #tpu.memory_space<vmem>>, vector<16xi32>, vector<16xi1>
          tpu.vector_store %arg10[%swap3A_197], %add3A_196 masked %and3A_178 {strides = array<i32>} : memref<16xi32, #tpu.memory_space<vmem>>, vector<16xi32>, vector<16xi1>
          %mul3A_199 = arith.constant 16 : i32
          %mul3A_200 = arith.muli %while3A_157, %mul3A_199 : i32
          %get3A_201 = arith.index_cast %mul3A_200 : i32 to index
          %get3A_202 = tpu.vector_load %arg7[%get3A_201] {strides = array<i32>} : memref<1040xi32, #tpu.memory_space<vmem>>, vector<16xi32>,
          %swap3A_203 = arith.constant 0 : index
          %swap3A_204 = tpu.vector_load %arg9[%swap3A_203] masked %and3A_178 {strides = array<i32>} : memref<16xi32, #tpu.memory_space<vmem>>, vector<16xi32>, vector<16xi1>
          tpu.vector_store %arg9[%swap3A_203], %get3A_202 masked %and3A_178 {strides = array<i32>} : memref<16xi32, #tpu.memory_space<vmem>>, vector<16xi32>, vector<16xi1>
          %broadcast_in_dim3A = vector.broadcast %while3A_190 : i32 to vector<16xi32>
          %get3A_205 = arith.constant 0 : index
          %get3A_206 = tpu.vector_load %arg8[%get3A_205] {strides = array<i32>} : memref<16xi32, #tpu.memory_space<vmem>>, vector<16xi32>,
          %lt3A_207 = arith.constant 0 : i32
          %lt3A_208 = vector.broadcast %lt3A_207 : i32 to vector<16xi32>
          %lt3A_209 = arith.cmpi slt, %broadcast_in_dim3A, %lt3A_208 : vector<16xi32>
          %add3A_210 = arith.constant 16 : i32
          %add3A_211 = vector.broadcast %add3A_210 : i32 to vector<16xi32>
          %add3A_212 = arith.addi %broadcast_in_dim3A, %add3A_211 : vector<16xi32>
          %select_n3A_213 = arith.select %lt3A_209, %add3A_212, %broadcast_in_dim3A : vector<16xi1>, vector<16xi32>
          %broadcast_in_dim3A_214 = vector.shape_cast %select_n3A_213 : vector<16xi32> to vector<16x1xi32>
          %gather3A = vector.shape_cast %broadcast_in_dim3A_214 : vector<16x1xi32> to vector<16xi32>
          %gather3A_215 = tpu.dynamic_gather %get3A_206[%gather3A] in [0] : vector<16xi32>, vector<16xi32> -> vector<16xi32>
          %and3A_216 = arith.constant 127 : i32
          %and3A_217 = vector.broadcast %and3A_216 : i32 to vector<16xi32>
          %and3A_218 = arith.andi %gather3A_215, %and3A_217 : vector<16xi32>
          %get3A_219 = arith.constant 0 : index
          %get3A_220 = tpu.vector_load %arg10[%get3A_219] {strides = array<i32>} : memref<16xi32, #tpu.memory_space<vmem>>, vector<16xi32>,
          %lt3A_221 = arith.constant 0 : i32
          %lt3A_222 = vector.broadcast %lt3A_221 : i32 to vector<16xi32>
          %lt3A_223 = arith.cmpi slt, %broadcast_in_dim3A, %lt3A_222 : vector<16xi32>
          %add3A_224 = arith.constant 16 : i32
          %add3A_225 = vector.broadcast %add3A_224 : i32 to vector<16xi32>
          %add3A_226 = arith.addi %broadcast_in_dim3A, %add3A_225 : vector<16xi32>
          %select_n3A_227 = arith.select %lt3A_223, %add3A_226, %broadcast_in_dim3A : vector<16xi1>, vector<16xi32>
          %broadcast_in_dim3A_228 = vector.shape_cast %select_n3A_227 : vector<16xi32> to vector<16x1xi32>
          %gather3A_229 = vector.shape_cast %broadcast_in_dim3A_228 : vector<16x1xi32> to vector<16xi32>
          %gather3A_230 = tpu.dynamic_gather %get3A_220[%gather3A_229] in [0] : vector<16xi32>, vector<16xi32> -> vector<16xi32>
          %jit3A_231 = arith.constant 16 : i32
          %eq3A_232 = arith.constant 0 : i32
          %eq3A_233 = arith.cmpi eq, %jit3A_231, %eq3A_232 : i32
          %jit3A_234 = arith.constant 1 : i32
          %select_n3A_235 = arith.select %eq3A_233, %jit3A_234, %jit3A_231 : i32
          %rem3A_236 = arith.remsi %while3A_191, %select_n3A_235 : i32
          %ne3A_237 = arith.constant 0 : i32
          %ne3A_238 = arith.cmpi ne, %rem3A_236, %ne3A_237 : i32
          %lt3A_239 = arith.constant 0 : i32
          %lt3A_240 = arith.cmpi slt, %rem3A_236, %lt3A_239 : i32
          %lt3A_241 = arith.constant 0 : i32
          %lt3A_242 = arith.cmpi slt, %select_n3A_235, %lt3A_241 : i32
          %ne3A_243 = arith.xori %lt3A_240, %lt3A_242 : i1
          %and3A_244 = arith.andi %ne3A_243, %ne3A_238 : i1
          %add3A_245 = arith.addi %rem3A_236, %select_n3A_235 : i32
          %select_n3A_246 = arith.select %and3A_244, %add3A_245, %rem3A_236 : i32
          %ge3A_247 = arith.constant 16 : i32
          %ge3A_248 = arith.cmpi sge, %while3A_191, %ge3A_247 : i32
          %convert_element_type3A_249 = arith.extui %ge3A_248 : i1 to i32
          %cond3A_250 = arith.constant 0 : i32
          %cond3A_251 = arith.cmpi ne, %convert_element_type3A_249, %cond3A_250 : i32
          scf.if %cond3A_251 {
            %dma_wait3A = arith.constant 0 : i32
            %dma_wait3A_308 = arith.constant 0 : i32
            %dma_wait3A_309 = arith.constant 0 : i32
            %dma_wait3A_310 = tpu.memref_slice %arg11[%dma_wait3A_308, %dma_wait3A_309] : memref<16x64xf32, #tpu.memory_space<vmem>> -> memref<1x64xf32, #tpu.memory_space<vmem>>
            %dma_wait3A_311 = tpu.memref_squeeze %dma_wait3A_310 : memref<1x64xf32, #tpu.memory_space<vmem>> -> memref<64xf32, #tpu.memory_space<vmem>>
            %dma_wait3A_312 = arith.constant 0 : i32
            %dma_wait3A_313 = tpu.memref_slice %arg4[%dma_wait3A, %dma_wait3A_312] : memref<16384x64xf32, #tpu.memory_space<hbm>> -> memref<1x64xf32, #tpu.memory_space<hbm>>
            %dma_wait3A_314 = tpu.memref_squeeze %dma_wait3A_313 : memref<1x64xf32, #tpu.memory_space<hbm>> -> memref<64xf32, #tpu.memory_space<hbm>>
            %dma_wait3A_315 = arith.constant 0 : i32
            %dma_wait3A_316 = tpu.memref_slice %arg11[%dma_wait3A_308, %dma_wait3A_315] : memref<16x64xf32, #tpu.memory_space<vmem>> -> memref<1x64xf32, #tpu.memory_space<vmem>>
            %dma_wait3A_317 = tpu.memref_squeeze %dma_wait3A_316 : memref<1x64xf32, #tpu.memory_space<vmem>> -> memref<64xf32, #tpu.memory_space<vmem>>
            %dma_wait3A_318 = arith.constant 0 : i32
            %dma_wait3A_319 = tpu.memref_slice %arg4[%dma_wait3A, %dma_wait3A_318] : memref<16384x64xf32, #tpu.memory_space<hbm>> -> memref<1x64xf32, #tpu.memory_space<hbm>>
            %dma_wait3A_320 = tpu.memref_squeeze %dma_wait3A_319 : memref<1x64xf32, #tpu.memory_space<hbm>> -> memref<64xf32, #tpu.memory_space<hbm>>
            tpu.wait_dma2 semaphore(%arg15 : memref<!tpu.dma_semaphore, #tpu.memory_space<semaphore_mem>>) src(%dma_wait3A_320 : memref<64xf32, #tpu.memory_space<hbm>>) dst(%dma_wait3A_317 : memref<64xf32, #tpu.memory_space<vmem>>)
          } else {
          }
          %add3A_252 = arith.constant 0 : i32
          %add3A_253 = vector.broadcast %add3A_252 : i32 to vector<16xi32>
          %add3A_254 = arith.addi %iota3A, %add3A_253 : vector<16xi32>
          %gather3A_255 = tpu.vector_load_idx %arg12[%gather3A_230, %add3A_254, %and3A_218] : memref<8x64x128xf32, #tpu.memory_space<vmem>>[vector<16xi32>, vector<16xi32>, vector<16xi32>], vector<16xf32>,
          %swap3A_256 = arith.index_cast %select_n3A_246 : i32 to index
          %swap3A_257 = arith.constant 0 : index
          %swap3A_258 = tpu.vector_load %arg11[%swap3A_256, %swap3A_257] {strides = array<i32>} : memref<16x64xf32, #tpu.memory_space<vmem>>, vector<16xf32>,
          tpu.vector_store %arg11[%swap3A_256, %swap3A_257], %gather3A_255 {strides = array<i32>} : memref<16x64xf32, #tpu.memory_space<vmem>>, vector<16xf32>,
          %add3A_259 = arith.constant 16 : i32
          %add3A_260 = vector.broadcast %add3A_259 : i32 to vector<16xi32>
          %add3A_261 = arith.addi %iota3A, %add3A_260 : vector<16xi32>
          %gather3A_262 = tpu.vector_load_idx %arg12[%gather3A_230, %add3A_261, %and3A_218] : memref<8x64x128xf32, #tpu.memory_space<vmem>>[vector<16xi32>, vector<16xi32>, vector<16xi32>], vector<16xf32>,
          %swap3A_263 = arith.index_cast %select_n3A_246 : i32 to index
          %swap3A_264 = arith.constant 16 : index
          %swap3A_265 = tpu.vector_load %arg11[%swap3A_263, %swap3A_264] {strides = array<i32>} : memref<16x64xf32, #tpu.memory_space<vmem>>, vector<16xf32>,
          tpu.vector_store %arg11[%swap3A_263, %swap3A_264], %gather3A_262 {strides = array<i32>} : memref<16x64xf32, #tpu.memory_space<vmem>>, vector<16xf32>,
          %add3A_266 = arith.constant 32 : i32
          %add3A_267 = vector.broadcast %add3A_266 : i32 to vector<16xi32>
          %add3A_268 = arith.addi %iota3A, %add3A_267 : vector<16xi32>
          %gather3A_269 = tpu.vector_load_idx %arg12[%gather3A_230, %add3A_268, %and3A_218] : memref<8x64x128xf32, #tpu.memory_space<vmem>>[vector<16xi32>, vector<16xi32>, vector<16xi32>], vector<16xf32>,
          %swap3A_270 = arith.index_cast %select_n3A_246 : i32 to index
          %swap3A_271 = arith.constant 32 : index
          %swap3A_272 = tpu.vector_load %arg11[%swap3A_270, %swap3A_271] {strides = array<i32>} : memref<16x64xf32, #tpu.memory_space<vmem>>, vector<16xf32>,
          tpu.vector_store %arg11[%swap3A_270, %swap3A_271], %gather3A_269 {strides = array<i32>} : memref<16x64xf32, #tpu.memory_space<vmem>>, vector<16xf32>,
          %add3A_273 = arith.constant 48 : i32
          %add3A_274 = vector.broadcast %add3A_273 : i32 to vector<16xi32>
          %add3A_275 = arith.addi %iota3A, %add3A_274 : vector<16xi32>
          %gather3A_276 = tpu.vector_load_idx %arg12[%gather3A_230, %add3A_275, %and3A_218] : memref<8x64x128xf32, #tpu.memory_space<vmem>>[vector<16xi32>, vector<16xi32>, vector<16xi32>], vector<16xf32>,
          %swap3A_277 = arith.index_cast %select_n3A_246 : i32 to index
          %swap3A_278 = arith.constant 48 : index
          %swap3A_279 = tpu.vector_load %arg11[%swap3A_277, %swap3A_278] {strides = array<i32>} : memref<16x64xf32, #tpu.memory_space<vmem>>, vector<16xf32>,
          tpu.vector_store %arg11[%swap3A_277, %swap3A_278], %gather3A_276 {strides = array<i32>} : memref<16x64xf32, #tpu.memory_space<vmem>>, vector<16xf32>,
          %get3A_280 = arith.constant 0 : index
          %get3A_281 = tpu.vector_load %arg9[%get3A_280] {strides = array<i32>} : memref<16xi32, #tpu.memory_space<vmem>>, vector<16xi32>,
          %lt3A_282 = arith.constant 0 : i32
          %lt3A_283 = vector.broadcast %lt3A_282 : i32 to vector<16xi32>
          %lt3A_284 = arith.cmpi slt, %broadcast_in_dim3A, %lt3A_283 : vector<16xi32>
          %add3A_285 = arith.constant 16 : i32
          %add3A_286 = vector.broadcast %add3A_285 : i32 to vector<16xi32>
          %add3A_287 = arith.addi %broadcast_in_dim3A, %add3A_286 : vector<16xi32>
          %select_n3A_288 = arith.select %lt3A_284, %add3A_287, %broadcast_in_dim3A : vector<16xi1>, vector<16xi32>
          %broadcast_in_dim3A_289 = vector.shape_cast %select_n3A_288 : vector<16xi32> to vector<16x1xi32>
          %gather3A_290 = vector.shape_cast %broadcast_in_dim3A_289 : vector<16x1xi32> to vector<16xi32>
          %gather3A_291 = tpu.dynamic_gather %get3A_281[%gather3A_290] in [0] : vector<16xi32>, vector<16xi32> -> vector<16xi32>
          %slice3A_292 = vector.extract_strided_slice %gather3A_291 {offsets = [0], sizes = [1], strides = [1]} : vector<16xi32> to vector<1xi32>
          %squeeze3A_293 = vector.extract %slice3A_292[0] : i32 from vector<1xi32>
          %dma_start3A_294 = arith.constant 0 : i32
          %dma_start3A_295 = tpu.memref_slice %arg11[%select_n3A_246, %dma_start3A_294] : memref<16x64xf32, #tpu.memory_space<vmem>> -> memref<1x64xf32, #tpu.memory_space<vmem>>
          %dma_start3A_296 = tpu.memref_squeeze %dma_start3A_295 : memref<1x64xf32, #tpu.memory_space<vmem>> -> memref<64xf32, #tpu.memory_space<vmem>>
          %dma_start3A_297 = arith.constant 0 : i32
          %dma_start3A_298 = tpu.memref_slice %arg4[%squeeze3A_293, %dma_start3A_297] : memref<16384x64xf32, #tpu.memory_space<hbm>> -> memref<1x64xf32, #tpu.memory_space<hbm>>
          %dma_start3A_299 = tpu.memref_squeeze %dma_start3A_298 : memref<1x64xf32, #tpu.memory_space<hbm>> -> memref<64xf32, #tpu.memory_space<hbm>>
          %dma_start3A_300 = arith.constant 0 : i32
          %dma_start3A_301 = tpu.memref_slice %arg4[%squeeze3A_293, %dma_start3A_300] : memref<16384x64xf32, #tpu.memory_space<hbm>> -> memref<1x64xf32, #tpu.memory_space<hbm>>
          %dma_start3A_302 = tpu.memref_squeeze %dma_start3A_301 : memref<1x64xf32, #tpu.memory_space<hbm>> -> memref<64xf32, #tpu.memory_space<hbm>>
          %dma_start3A_303 = arith.constant 0 : i32
          %dma_start3A_304 = tpu.memref_slice %arg11[%select_n3A_246, %dma_start3A_303] : memref<16x64xf32, #tpu.memory_space<vmem>> -> memref<1x64xf32, #tpu.memory_space<vmem>>
          %dma_start3A_305 = tpu.memref_squeeze %dma_start3A_304 : memref<1x64xf32, #tpu.memory_space<vmem>> -> memref<64xf32, #tpu.memory_space<vmem>>
          tpu.enqueue_dma source(%dma_start3A_305 : memref<64xf32, #tpu.memory_space<vmem>>) target(%dma_start3A_302 : memref<64xf32, #tpu.memory_space<hbm>>) target_semaphore(%arg15 : memref<!tpu.dma_semaphore, #tpu.memory_space<semaphore_mem>>)
          %add3A_306 = arith.constant 1 : i32
          %add3A_307 = arith.addi %while3A_191, %add3A_306 : i32
          scf.yield %add3A_307 : i32
        }
        scf.yield %while3A_189 : i32
      }
      %while3A_155 = arith.constant 1 : i32
      %while3A_156 = scf.for %while3A_157 = %while3A_152 to %while3A_148 step %while3A_155 iter_args(%while3A_158 = %while3A_154) -> (i32)  : i32 {
        %mul3A_159 = arith.constant 16 : i32
        %mul3A_160 = arith.muli %while3A_157, %mul3A_159 : i32
        %get3A = arith.index_cast %mul3A_160 : i32 to index
        %get3A_161 = tpu.vector_load %arg6[%get3A] {strides = array<i32>} : memref<1040xi32, #tpu.memory_space<vmem>>, vector<16xi32>,
        %mul3A_162 = arith.constant 16 : i32
        %mul3A_163 = arith.muli %while3A_157, %mul3A_162 : i32
        %add3A_164 = vector.broadcast %mul3A_163 : i32 to vector<16xi32>
        %add3A_165 = arith.addi %iota3A, %add3A_164 : vector<16xi32>
        %lt3A_166 = vector.broadcast %scan3A_9 : i32 to vector<16xi32>
        %lt3A_167 = arith.cmpi slt, %add3A_165, %lt3A_166 : vector<16xi32>
        %shift_right_arithmetic3A_168 = arith.constant 7 : i32
        %shift_right_arithmetic3A_169 = vector.broadcast %shift_right_arithmetic3A_168 : i32 to vector<16xi32>
        %shift_right_arithmetic3A_170 = arith.shrsi %get3A_161, %shift_right_arithmetic3A_169 : vector<16xi32>
        %sub3A = vector.broadcast %add3A_145 : i32 to vector<16xi32>
        %sub3A_171 = arith.subi %shift_right_arithmetic3A_170, %sub3A : vector<16xi32>
        %ge3A = arith.constant 0 : i32
        %ge3A_172 = vector.broadcast %ge3A : i32 to vector<16xi32>
        %ge3A_173 = arith.cmpi sge, %sub3A_171, %ge3A_172 : vector<16xi32>
        %lt3A_174 = arith.constant 4 : i32
        %lt3A_175 = vector.broadcast %lt3A_174 : i32 to vector<16xi32>
        %lt3A_176 = arith.cmpi slt, %sub3A_171, %lt3A_175 : vector<16xi32>
        %and3A_177 = arith.andi %ge3A_173, %lt3A_176 : vector<16xi1>
        %and3A_178 = arith.andi %and3A_177, %lt3A_167 : vector<16xi1>
        %all_reduce_population_count3A = tpu.all_reduce %and3A_178 {dim = 0 : i64, kind = #tpu.reduction_kind<sum>} : vector<16xi1> -> vector<16xi32>
        %slice3A = vector.extract_strided_slice %all_reduce_population_count3A {offsets = [0], sizes = [1], strides = [1]} : vector<16xi32> to vector<1xi32>
        %squeeze3A = vector.extract %slice3A[0] : i32 from vector<1xi32>
        %while3A_179 = arith.constant 0 : i32
        %while3A_180 = arith.subi %squeeze3A, %while3A_179 : i32
        %while3A_181 = arith.addi %while3A_179, %while3A_180 : i32
        %while3A_182 = arith.constant 1 : i32
        %while3A_183 = arith.divsi %while3A_180, %while3A_182 : i32
        %while3A_184 = arith.muli %while3A_183, %while3A_182 : i32
        %while3A_185 = arith.addi %while3A_179, %while3A_184 : i32
        %while3A_186 = arith.constant 1 : i32
        %while3A_187 = scf.for %while3A_190 = %while3A_179 to %while3A_185 step %while3A_186 iter_args(%while3A_191 = %while3A_158) -> (i32)  : i32 {
          %swap3A = arith.constant 0 : index
          %swap3A_192 = tpu.vector_load %arg8[%swap3A] masked %and3A_178 {strides = array<i32>} : memref<16xi32, #tpu.memory_space<vmem>>, vector<16xi32>, vector<16xi1>
          tpu.vector_store %arg8[%swap3A], %get3A_161 masked %and3A_178 {strides = array<i32>} : memref<16xi32, #tpu.memory_space<vmem>>, vector<16xi32>, vector<16xi1>
          %mul3A_193 = arith.constant 4 : i32
          %mul3A_194 = arith.muli %select_n3A_134, %mul3A_193 : i32
          %add3A_195 = vector.broadcast %mul3A_194 : i32 to vector<16xi32>
          %add3A_196 = arith.addi %sub3A_171, %add3A_195 : vector<16xi32>
          %swap3A_197 = arith.constant 0 : index
          %swap3A_198 = tpu.vector_load %arg10[%swap3A_197] masked %and3A_178 {strides = array<i32>} : memref<16xi32, #tpu.memory_space<vmem>>, vector<16xi32>, vector<16xi1>
          tpu.vector_store %arg10[%swap3A_197], %add3A_196 masked %and3A_178 {strides = array<i32>} : memref<16xi32, #tpu.memory_space<vmem>>, vector<16xi32>, vector<16xi1>
          %mul3A_199 = arith.constant 16 : i32
          %mul3A_200 = arith.muli %while3A_157, %mul3A_199 : i32
          %get3A_201 = arith.index_cast %mul3A_200 : i32 to index
          %get3A_202 = tpu.vector_load %arg7[%get3A_201] {strides = array<i32>} : memref<1040xi32, #tpu.memory_space<vmem>>, vector<16xi32>,
          %swap3A_203 = arith.constant 0 : index
          %swap3A_204 = tpu.vector_load %arg9[%swap3A_203] masked %and3A_178 {strides = array<i32>} : memref<16xi32, #tpu.memory_space<vmem>>, vector<16xi32>, vector<16xi1>
          tpu.vector_store %arg9[%swap3A_203], %get3A_202 masked %and3A_178 {strides = array<i32>} : memref<16xi32, #tpu.memory_space<vmem>>, vector<16xi32>, vector<16xi1>
          %broadcast_in_dim3A = vector.broadcast %while3A_190 : i32 to vector<16xi32>
          %get3A_205 = arith.constant 0 : index
          %get3A_206 = tpu.vector_load %arg8[%get3A_205] {strides = array<i32>} : memref<16xi32, #tpu.memory_space<vmem>>, vector<16xi32>,
          %lt3A_207 = arith.constant 0 : i32
          %lt3A_208 = vector.broadcast %lt3A_207 : i32 to vector<16xi32>
          %lt3A_209 = arith.cmpi slt, %broadcast_in_dim3A, %lt3A_208 : vector<16xi32>
          %add3A_210 = arith.constant 16 : i32
          %add3A_211 = vector.broadcast %add3A_210 : i32 to vector<16xi32>
          %add3A_212 = arith.addi %broadcast_in_dim3A, %add3A_211 : vector<16xi32>
          %select_n3A_213 = arith.select %lt3A_209, %add3A_212, %broadcast_in_dim3A : vector<16xi1>, vector<16xi32>
          %broadcast_in_dim3A_214 = vector.shape_cast %select_n3A_213 : vector<16xi32> to vector<16x1xi32>
          %gather3A = vector.shape_cast %broadcast_in_dim3A_214 : vector<16x1xi32> to vector<16xi32>
          %gather3A_215 = tpu.dynamic_gather %get3A_206[%gather3A] in [0] : vector<16xi32>, vector<16xi32> -> vector<16xi32>
          %and3A_216 = arith.constant 127 : i32
          %and3A_217 = vector.broadcast %and3A_216 : i32 to vector<16xi32>
          %and3A_218 = arith.andi %gather3A_215, %and3A_217 : vector<16xi32>
          %get3A_219 = arith.constant 0 : index
          %get3A_220 = tpu.vector_load %arg10[%get3A_219] {strides = array<i32>} : memref<16xi32, #tpu.memory_space<vmem>>, vector<16xi32>,
          %lt3A_221 = arith.constant 0 : i32
          %lt3A_222 = vector.broadcast %lt3A_221 : i32 to vector<16xi32>
          %lt3A_223 = arith.cmpi slt, %broadcast_in_dim3A, %lt3A_222 : vector<16xi32>
          %add3A_224 = arith.constant 16 : i32
          %add3A_225 = vector.broadcast %add3A_224 : i32 to vector<16xi32>
          %add3A_226 = arith.addi %broadcast_in_dim3A, %add3A_225 : vector<16xi32>
          %select_n3A_227 = arith.select %lt3A_223, %add3A_226, %broadcast_in_dim3A : vector<16xi1>, vector<16xi32>
          %broadcast_in_dim3A_228 = vector.shape_cast %select_n3A_227 : vector<16xi32> to vector<16x1xi32>
          %gather3A_229 = vector.shape_cast %broadcast_in_dim3A_228 : vector<16x1xi32> to vector<16xi32>
          %gather3A_230 = tpu.dynamic_gather %get3A_220[%gather3A_229] in [0] : vector<16xi32>, vector<16xi32> -> vector<16xi32>
          %jit3A_231 = arith.constant 16 : i32
          %eq3A_232 = arith.constant 0 : i32
          %eq3A_233 = arith.cmpi eq, %jit3A_231, %eq3A_232 : i32
          %jit3A_234 = arith.constant 1 : i32
          %select_n3A_235 = arith.select %eq3A_233, %jit3A_234, %jit3A_231 : i32
          %rem3A_236 = arith.remsi %while3A_191, %select_n3A_235 : i32
          %ne3A_237 = arith.constant 0 : i32
          %ne3A_238 = arith.cmpi ne, %rem3A_236, %ne3A_237 : i32
          %lt3A_239 = arith.constant 0 : i32
          %lt3A_240 = arith.cmpi slt, %rem3A_236, %lt3A_239 : i32
          %lt3A_241 = arith.constant 0 : i32
          %lt3A_242 = arith.cmpi slt, %select_n3A_235, %lt3A_241 : i32
          %ne3A_243 = arith.xori %lt3A_240, %lt3A_242 : i1
          %and3A_244 = arith.andi %ne3A_243, %ne3A_238 : i1
          %add3A_245 = arith.addi %rem3A_236, %select_n3A_235 : i32
          %select_n3A_246 = arith.select %and3A_244, %add3A_245, %rem3A_236 : i32
          %ge3A_247 = arith.constant 16 : i32
          %ge3A_248 = arith.cmpi sge, %while3A_191, %ge3A_247 : i32
          %convert_element_type3A_249 = arith.extui %ge3A_248 : i1 to i32
          %cond3A_250 = arith.constant 0 : i32
          %cond3A_251 = arith.cmpi ne, %convert_element_type3A_249, %cond3A_250 : i32
          scf.if %cond3A_251 {
            %dma_wait3A = arith.constant 0 : i32
            %dma_wait3A_308 = arith.constant 0 : i32
            %dma_wait3A_309 = arith.constant 0 : i32
            %dma_wait3A_310 = tpu.memref_slice %arg11[%dma_wait3A_308, %dma_wait3A_309] : memref<16x64xf32, #tpu.memory_space<vmem>> -> memref<1x64xf32, #tpu.memory_space<vmem>>
            %dma_wait3A_311 = tpu.memref_squeeze %dma_wait3A_310 : memref<1x64xf32, #tpu.memory_space<vmem>> -> memref<64xf32, #tpu.memory_space<vmem>>
            %dma_wait3A_312 = arith.constant 0 : i32
            %dma_wait3A_313 = tpu.memref_slice %arg4[%dma_wait3A, %dma_wait3A_312] : memref<16384x64xf32, #tpu.memory_space<hbm>> -> memref<1x64xf32, #tpu.memory_space<hbm>>
            %dma_wait3A_314 = tpu.memref_squeeze %dma_wait3A_313 : memref<1x64xf32, #tpu.memory_space<hbm>> -> memref<64xf32, #tpu.memory_space<hbm>>
            %dma_wait3A_315 = arith.constant 0 : i32
            %dma_wait3A_316 = tpu.memref_slice %arg11[%dma_wait3A_308, %dma_wait3A_315] : memref<16x64xf32, #tpu.memory_space<vmem>> -> memref<1x64xf32, #tpu.memory_space<vmem>>
            %dma_wait3A_317 = tpu.memref_squeeze %dma_wait3A_316 : memref<1x64xf32, #tpu.memory_space<vmem>> -> memref<64xf32, #tpu.memory_space<vmem>>
            %dma_wait3A_318 = arith.constant 0 : i32
            %dma_wait3A_319 = tpu.memref_slice %arg4[%dma_wait3A, %dma_wait3A_318] : memref<16384x64xf32, #tpu.memory_space<hbm>> -> memref<1x64xf32, #tpu.memory_space<hbm>>
            %dma_wait3A_320 = tpu.memref_squeeze %dma_wait3A_319 : memref<1x64xf32, #tpu.memory_space<hbm>> -> memref<64xf32, #tpu.memory_space<hbm>>
            tpu.wait_dma2 semaphore(%arg15 : memref<!tpu.dma_semaphore, #tpu.memory_space<semaphore_mem>>) src(%dma_wait3A_320 : memref<64xf32, #tpu.memory_space<hbm>>) dst(%dma_wait3A_317 : memref<64xf32, #tpu.memory_space<vmem>>)
          } else {
          }
          %add3A_252 = arith.constant 0 : i32
          %add3A_253 = vector.broadcast %add3A_252 : i32 to vector<16xi32>
          %add3A_254 = arith.addi %iota3A, %add3A_253 : vector<16xi32>
          %gather3A_255 = tpu.vector_load_idx %arg12[%gather3A_230, %add3A_254, %and3A_218] : memref<8x64x128xf32, #tpu.memory_space<vmem>>[vector<16xi32>, vector<16xi32>, vector<16xi32>], vector<16xf32>,
          %swap3A_256 = arith.index_cast %select_n3A_246 : i32 to index
          %swap3A_257 = arith.constant 0 : index
          %swap3A_258 = tpu.vector_load %arg11[%swap3A_256, %swap3A_257] {strides = array<i32>} : memref<16x64xf32, #tpu.memory_space<vmem>>, vector<16xf32>,
          tpu.vector_store %arg11[%swap3A_256, %swap3A_257], %gather3A_255 {strides = array<i32>} : memref<16x64xf32, #tpu.memory_space<vmem>>, vector<16xf32>,
          %add3A_259 = arith.constant 16 : i32
          %add3A_260 = vector.broadcast %add3A_259 : i32 to vector<16xi32>
          %add3A_261 = arith.addi %iota3A, %add3A_260 : vector<16xi32>
          %gather3A_262 = tpu.vector_load_idx %arg12[%gather3A_230, %add3A_261, %and3A_218] : memref<8x64x128xf32, #tpu.memory_space<vmem>>[vector<16xi32>, vector<16xi32>, vector<16xi32>], vector<16xf32>,
          %swap3A_263 = arith.index_cast %select_n3A_246 : i32 to index
          %swap3A_264 = arith.constant 16 : index
          %swap3A_265 = tpu.vector_load %arg11[%swap3A_263, %swap3A_264] {strides = array<i32>} : memref<16x64xf32, #tpu.memory_space<vmem>>, vector<16xf32>,
          tpu.vector_store %arg11[%swap3A_263, %swap3A_264], %gather3A_262 {strides = array<i32>} : memref<16x64xf32, #tpu.memory_space<vmem>>, vector<16xf32>,
          %add3A_266 = arith.constant 32 : i32
          %add3A_267 = vector.broadcast %add3A_266 : i32 to vector<16xi32>
          %add3A_268 = arith.addi %iota3A, %add3A_267 : vector<16xi32>
          %gather3A_269 = tpu.vector_load_idx %arg12[%gather3A_230, %add3A_268, %and3A_218] : memref<8x64x128xf32, #tpu.memory_space<vmem>>[vector<16xi32>, vector<16xi32>, vector<16xi32>], vector<16xf32>,
          %swap3A_270 = arith.index_cast %select_n3A_246 : i32 to index
          %swap3A_271 = arith.constant 32 : index
          %swap3A_272 = tpu.vector_load %arg11[%swap3A_270, %swap3A_271] {strides = array<i32>} : memref<16x64xf32, #tpu.memory_space<vmem>>, vector<16xf32>,
          tpu.vector_store %arg11[%swap3A_270, %swap3A_271], %gather3A_269 {strides = array<i32>} : memref<16x64xf32, #tpu.memory_space<vmem>>, vector<16xf32>,
          %add3A_273 = arith.constant 48 : i32
          %add3A_274 = vector.broadcast %add3A_273 : i32 to vector<16xi32>
          %add3A_275 = arith.addi %iota3A, %add3A_274 : vector<16xi32>
          %gather3A_276 = tpu.vector_load_idx %arg12[%gather3A_230, %add3A_275, %and3A_218] : memref<8x64x128xf32, #tpu.memory_space<vmem>>[vector<16xi32>, vector<16xi32>, vector<16xi32>], vector<16xf32>,
          %swap3A_277 = arith.index_cast %select_n3A_246 : i32 to index
          %swap3A_278 = arith.constant 48 : index
          %swap3A_279 = tpu.vector_load %arg11[%swap3A_277, %swap3A_278] {strides = array<i32>} : memref<16x64xf32, #tpu.memory_space<vmem>>, vector<16xf32>,
          tpu.vector_store %arg11[%swap3A_277, %swap3A_278], %gather3A_276 {strides = array<i32>} : memref<16x64xf32, #tpu.memory_space<vmem>>, vector<16xf32>,
          %get3A_280 = arith.constant 0 : index
          %get3A_281 = tpu.vector_load %arg9[%get3A_280] {strides = array<i32>} : memref<16xi32, #tpu.memory_space<vmem>>, vector<16xi32>,
          %lt3A_282 = arith.constant 0 : i32
          %lt3A_283 = vector.broadcast %lt3A_282 : i32 to vector<16xi32>
          %lt3A_284 = arith.cmpi slt, %broadcast_in_dim3A, %lt3A_283 : vector<16xi32>
          %add3A_285 = arith.constant 16 : i32
          %add3A_286 = vector.broadcast %add3A_285 : i32 to vector<16xi32>
          %add3A_287 = arith.addi %broadcast_in_dim3A, %add3A_286 : vector<16xi32>
          %select_n3A_288 = arith.select %lt3A_284, %add3A_287, %broadcast_in_dim3A : vector<16xi1>, vector<16xi32>
          %broadcast_in_dim3A_289 = vector.shape_cast %select_n3A_288 : vector<16xi32> to vector<16x1xi32>
          %gather3A_290 = vector.shape_cast %broadcast_in_dim3A_289 : vector<16x1xi32> to vector<16xi32>
          %gather3A_291 = tpu.dynamic_gather %get3A_281[%gather3A_290] in [0] : vector<16xi32>, vector<16xi32> -> vector<16xi32>
          %slice3A_292 = vector.extract_strided_slice %gather3A_291 {offsets = [0], sizes = [1], strides = [1]} : vector<16xi32> to vector<1xi32>
          %squeeze3A_293 = vector.extract %slice3A_292[0] : i32 from vector<1xi32>
          %dma_start3A_294 = arith.constant 0 : i32
          %dma_start3A_295 = tpu.memref_slice %arg11[%select_n3A_246, %dma_start3A_294] : memref<16x64xf32, #tpu.memory_space<vmem>> -> memref<1x64xf32, #tpu.memory_space<vmem>>
          %dma_start3A_296 = tpu.memref_squeeze %dma_start3A_295 : memref<1x64xf32, #tpu.memory_space<vmem>> -> memref<64xf32, #tpu.memory_space<vmem>>
          %dma_start3A_297 = arith.constant 0 : i32
          %dma_start3A_298 = tpu.memref_slice %arg4[%squeeze3A_293, %dma_start3A_297] : memref<16384x64xf32, #tpu.memory_space<hbm>> -> memref<1x64xf32, #tpu.memory_space<hbm>>
          %dma_start3A_299 = tpu.memref_squeeze %dma_start3A_298 : memref<1x64xf32, #tpu.memory_space<hbm>> -> memref<64xf32, #tpu.memory_space<hbm>>
          %dma_start3A_300 = arith.constant 0 : i32
          %dma_start3A_301 = tpu.memref_slice %arg4[%squeeze3A_293, %dma_start3A_300] : memref<16384x64xf32, #tpu.memory_space<hbm>> -> memref<1x64xf32, #tpu.memory_space<hbm>>
          %dma_start3A_302 = tpu.memref_squeeze %dma_start3A_301 : memref<1x64xf32, #tpu.memory_space<hbm>> -> memref<64xf32, #tpu.memory_space<hbm>>
          %dma_start3A_303 = arith.constant 0 : i32
          %dma_start3A_304 = tpu.memref_slice %arg11[%select_n3A_246, %dma_start3A_303] : memref<16x64xf32, #tpu.memory_space<vmem>> -> memref<1x64xf32, #tpu.memory_space<vmem>>
          %dma_start3A_305 = tpu.memref_squeeze %dma_start3A_304 : memref<1x64xf32, #tpu.memory_space<vmem>> -> memref<64xf32, #tpu.memory_space<vmem>>
          tpu.enqueue_dma source(%dma_start3A_305 : memref<64xf32, #tpu.memory_space<vmem>>) target(%dma_start3A_302 : memref<64xf32, #tpu.memory_space<hbm>>) target_semaphore(%arg15 : memref<!tpu.dma_semaphore, #tpu.memory_space<semaphore_mem>>)
          %add3A_306 = arith.constant 1 : i32
          %add3A_307 = arith.addi %while3A_191, %add3A_306 : i32
          scf.yield %add3A_307 : i32
        }
        %while3A_188 = arith.constant 1 : i32
        %while3A_189 = scf.for %while3A_190 = %while3A_185 to %while3A_181 step %while3A_188 iter_args(%while3A_191 = %while3A_187) -> (i32)  : i32 {
          %swap3A = arith.constant 0 : index
          %swap3A_192 = tpu.vector_load %arg8[%swap3A] masked %and3A_178 {strides = array<i32>} : memref<16xi32, #tpu.memory_space<vmem>>, vector<16xi32>, vector<16xi1>
          tpu.vector_store %arg8[%swap3A], %get3A_161 masked %and3A_178 {strides = array<i32>} : memref<16xi32, #tpu.memory_space<vmem>>, vector<16xi32>, vector<16xi1>
          %mul3A_193 = arith.constant 4 : i32
          %mul3A_194 = arith.muli %select_n3A_134, %mul3A_193 : i32
          %add3A_195 = vector.broadcast %mul3A_194 : i32 to vector<16xi32>
          %add3A_196 = arith.addi %sub3A_171, %add3A_195 : vector<16xi32>
          %swap3A_197 = arith.constant 0 : index
          %swap3A_198 = tpu.vector_load %arg10[%swap3A_197] masked %and3A_178 {strides = array<i32>} : memref<16xi32, #tpu.memory_space<vmem>>, vector<16xi32>, vector<16xi1>
          tpu.vector_store %arg10[%swap3A_197], %add3A_196 masked %and3A_178 {strides = array<i32>} : memref<16xi32, #tpu.memory_space<vmem>>, vector<16xi32>, vector<16xi1>
          %mul3A_199 = arith.constant 16 : i32
          %mul3A_200 = arith.muli %while3A_157, %mul3A_199 : i32
          %get3A_201 = arith.index_cast %mul3A_200 : i32 to index
          %get3A_202 = tpu.vector_load %arg7[%get3A_201] {strides = array<i32>} : memref<1040xi32, #tpu.memory_space<vmem>>, vector<16xi32>,
          %swap3A_203 = arith.constant 0 : index
          %swap3A_204 = tpu.vector_load %arg9[%swap3A_203] masked %and3A_178 {strides = array<i32>} : memref<16xi32, #tpu.memory_space<vmem>>, vector<16xi32>, vector<16xi1>
          tpu.vector_store %arg9[%swap3A_203], %get3A_202 masked %and3A_178 {strides = array<i32>} : memref<16xi32, #tpu.memory_space<vmem>>, vector<16xi32>, vector<16xi1>
          %broadcast_in_dim3A = vector.broadcast %while3A_190 : i32 to vector<16xi32>
          %get3A_205 = arith.constant 0 : index
          %get3A_206 = tpu.vector_load %arg8[%get3A_205] {strides = array<i32>} : memref<16xi32, #tpu.memory_space<vmem>>, vector<16xi32>,
          %lt3A_207 = arith.constant 0 : i32
          %lt3A_208 = vector.broadcast %lt3A_207 : i32 to vector<16xi32>
          %lt3A_209 = arith.cmpi slt, %broadcast_in_dim3A, %lt3A_208 : vector<16xi32>
          %add3A_210 = arith.constant 16 : i32
          %add3A_211 = vector.broadcast %add3A_210 : i32 to vector<16xi32>
          %add3A_212 = arith.addi %broadcast_in_dim3A, %add3A_211 : vector<16xi32>
          %select_n3A_213 = arith.select %lt3A_209, %add3A_212, %broadcast_in_dim3A : vector<16xi1>, vector<16xi32>
          %broadcast_in_dim3A_214 = vector.shape_cast %select_n3A_213 : vector<16xi32> to vector<16x1xi32>
          %gather3A = vector.shape_cast %broadcast_in_dim3A_214 : vector<16x1xi32> to vector<16xi32>
          %gather3A_215 = tpu.dynamic_gather %get3A_206[%gather3A] in [0] : vector<16xi32>, vector<16xi32> -> vector<16xi32>
          %and3A_216 = arith.constant 127 : i32
          %and3A_217 = vector.broadcast %and3A_216 : i32 to vector<16xi32>
          %and3A_218 = arith.andi %gather3A_215, %and3A_217 : vector<16xi32>
          %get3A_219 = arith.constant 0 : index
          %get3A_220 = tpu.vector_load %arg10[%get3A_219] {strides = array<i32>} : memref<16xi32, #tpu.memory_space<vmem>>, vector<16xi32>,
          %lt3A_221 = arith.constant 0 : i32
          %lt3A_222 = vector.broadcast %lt3A_221 : i32 to vector<16xi32>
          %lt3A_223 = arith.cmpi slt, %broadcast_in_dim3A, %lt3A_222 : vector<16xi32>
          %add3A_224 = arith.constant 16 : i32
          %add3A_225 = vector.broadcast %add3A_224 : i32 to vector<16xi32>
          %add3A_226 = arith.addi %broadcast_in_dim3A, %add3A_225 : vector<16xi32>
          %select_n3A_227 = arith.select %lt3A_223, %add3A_226, %broadcast_in_dim3A : vector<16xi1>, vector<16xi32>
          %broadcast_in_dim3A_228 = vector.shape_cast %select_n3A_227 : vector<16xi32> to vector<16x1xi32>
          %gather3A_229 = vector.shape_cast %broadcast_in_dim3A_228 : vector<16x1xi32> to vector<16xi32>
          %gather3A_230 = tpu.dynamic_gather %get3A_220[%gather3A_229] in [0] : vector<16xi32>, vector<16xi32> -> vector<16xi32>
          %jit3A_231 = arith.constant 16 : i32
          %eq3A_232 = arith.constant 0 : i32
          %eq3A_233 = arith.cmpi eq, %jit3A_231, %eq3A_232 : i32
          %jit3A_234 = arith.constant 1 : i32
          %select_n3A_235 = arith.select %eq3A_233, %jit3A_234, %jit3A_231 : i32
          %rem3A_236 = arith.remsi %while3A_191, %select_n3A_235 : i32
          %ne3A_237 = arith.constant 0 : i32
          %ne3A_238 = arith.cmpi ne, %rem3A_236, %ne3A_237 : i32
          %lt3A_239 = arith.constant 0 : i32
          %lt3A_240 = arith.cmpi slt, %rem3A_236, %lt3A_239 : i32
          %lt3A_241 = arith.constant 0 : i32
          %lt3A_242 = arith.cmpi slt, %select_n3A_235, %lt3A_241 : i32
          %ne3A_243 = arith.xori %lt3A_240, %lt3A_242 : i1
          %and3A_244 = arith.andi %ne3A_243, %ne3A_238 : i1
          %add3A_245 = arith.addi %rem3A_236, %select_n3A_235 : i32
          %select_n3A_246 = arith.select %and3A_244, %add3A_245, %rem3A_236 : i32
          %ge3A_247 = arith.constant 16 : i32
          %ge3A_248 = arith.cmpi sge, %while3A_191, %ge3A_247 : i32
          %convert_element_type3A_249 = arith.extui %ge3A_248 : i1 to i32
          %cond3A_250 = arith.constant 0 : i32
          %cond3A_251 = arith.cmpi ne, %convert_element_type3A_249, %cond3A_250 : i32
          scf.if %cond3A_251 {
            %dma_wait3A = arith.constant 0 : i32
            %dma_wait3A_308 = arith.constant 0 : i32
            %dma_wait3A_309 = arith.constant 0 : i32
            %dma_wait3A_310 = tpu.memref_slice %arg11[%dma_wait3A_308, %dma_wait3A_309] : memref<16x64xf32, #tpu.memory_space<vmem>> -> memref<1x64xf32, #tpu.memory_space<vmem>>
            %dma_wait3A_311 = tpu.memref_squeeze %dma_wait3A_310 : memref<1x64xf32, #tpu.memory_space<vmem>> -> memref<64xf32, #tpu.memory_space<vmem>>
            %dma_wait3A_312 = arith.constant 0 : i32
            %dma_wait3A_313 = tpu.memref_slice %arg4[%dma_wait3A, %dma_wait3A_312] : memref<16384x64xf32, #tpu.memory_space<hbm>> -> memref<1x64xf32, #tpu.memory_space<hbm>>
            %dma_wait3A_314 = tpu.memref_squeeze %dma_wait3A_313 : memref<1x64xf32, #tpu.memory_space<hbm>> -> memref<64xf32, #tpu.memory_space<hbm>>
            %dma_wait3A_315 = arith.constant 0 : i32
            %dma_wait3A_316 = tpu.memref_slice %arg11[%dma_wait3A_308, %dma_wait3A_315] : memref<16x64xf32, #tpu.memory_space<vmem>> -> memref<1x64xf32, #tpu.memory_space<vmem>>
            %dma_wait3A_317 = tpu.memref_squeeze %dma_wait3A_316 : memref<1x64xf32, #tpu.memory_space<vmem>> -> memref<64xf32, #tpu.memory_space<vmem>>
            %dma_wait3A_318 = arith.constant 0 : i32
            %dma_wait3A_319 = tpu.memref_slice %arg4[%dma_wait3A, %dma_wait3A_318] : memref<16384x64xf32, #tpu.memory_space<hbm>> -> memref<1x64xf32, #tpu.memory_space<hbm>>
            %dma_wait3A_320 = tpu.memref_squeeze %dma_wait3A_319 : memref<1x64xf32, #tpu.memory_space<hbm>> -> memref<64xf32, #tpu.memory_space<hbm>>
            tpu.wait_dma2 semaphore(%arg15 : memref<!tpu.dma_semaphore, #tpu.memory_space<semaphore_mem>>) src(%dma_wait3A_320 : memref<64xf32, #tpu.memory_space<hbm>>) dst(%dma_wait3A_317 : memref<64xf32, #tpu.memory_space<vmem>>)
          } else {
          }
          %add3A_252 = arith.constant 0 : i32
          %add3A_253 = vector.broadcast %add3A_252 : i32 to vector<16xi32>
          %add3A_254 = arith.addi %iota3A, %add3A_253 : vector<16xi32>
          %gather3A_255 = tpu.vector_load_idx %arg12[%gather3A_230, %add3A_254, %and3A_218] : memref<8x64x128xf32, #tpu.memory_space<vmem>>[vector<16xi32>, vector<16xi32>, vector<16xi32>], vector<16xf32>,
          %swap3A_256 = arith.index_cast %select_n3A_246 : i32 to index
          %swap3A_257 = arith.constant 0 : index
          %swap3A_258 = tpu.vector_load %arg11[%swap3A_256, %swap3A_257] {strides = array<i32>} : memref<16x64xf32, #tpu.memory_space<vmem>>, vector<16xf32>,
          tpu.vector_store %arg11[%swap3A_256, %swap3A_257], %gather3A_255 {strides = array<i32>} : memref<16x64xf32, #tpu.memory_space<vmem>>, vector<16xf32>,
          %add3A_259 = arith.constant 16 : i32
          %add3A_260 = vector.broadcast %add3A_259 : i32 to vector<16xi32>
          %add3A_261 = arith.addi %iota3A, %add3A_260 : vector<16xi32>
          %gather3A_262 = tpu.vector_load_idx %arg12[%gather3A_230, %add3A_261, %and3A_218] : memref<8x64x128xf32, #tpu.memory_space<vmem>>[vector<16xi32>, vector<16xi32>, vector<16xi32>], vector<16xf32>,
          %swap3A_263 = arith.index_cast %select_n3A_246 : i32 to index
          %swap3A_264 = arith.constant 16 : index
          %swap3A_265 = tpu.vector_load %arg11[%swap3A_263, %swap3A_264] {strides = array<i32>} : memref<16x64xf32, #tpu.memory_space<vmem>>, vector<16xf32>,
          tpu.vector_store %arg11[%swap3A_263, %swap3A_264], %gather3A_262 {strides = array<i32>} : memref<16x64xf32, #tpu.memory_space<vmem>>, vector<16xf32>,
          %add3A_266 = arith.constant 32 : i32
          %add3A_267 = vector.broadcast %add3A_266 : i32 to vector<16xi32>
          %add3A_268 = arith.addi %iota3A, %add3A_267 : vector<16xi32>
          %gather3A_269 = tpu.vector_load_idx %arg12[%gather3A_230, %add3A_268, %and3A_218] : memref<8x64x128xf32, #tpu.memory_space<vmem>>[vector<16xi32>, vector<16xi32>, vector<16xi32>], vector<16xf32>,
          %swap3A_270 = arith.index_cast %select_n3A_246 : i32 to index
          %swap3A_271 = arith.constant 32 : index
          %swap3A_272 = tpu.vector_load %arg11[%swap3A_270, %swap3A_271] {strides = array<i32>} : memref<16x64xf32, #tpu.memory_space<vmem>>, vector<16xf32>,
          tpu.vector_store %arg11[%swap3A_270, %swap3A_271], %gather3A_269 {strides = array<i32>} : memref<16x64xf32, #tpu.memory_space<vmem>>, vector<16xf32>,
          %add3A_273 = arith.constant 48 : i32
          %add3A_274 = vector.broadcast %add3A_273 : i32 to vector<16xi32>
          %add3A_275 = arith.addi %iota3A, %add3A_274 : vector<16xi32>
          %gather3A_276 = tpu.vector_load_idx %arg12[%gather3A_230, %add3A_275, %and3A_218] : memref<8x64x128xf32, #tpu.memory_space<vmem>>[vector<16xi32>, vector<16xi32>, vector<16xi32>], vector<16xf32>,
          %swap3A_277 = arith.index_cast %select_n3A_246 : i32 to index
          %swap3A_278 = arith.constant 48 : index
          %swap3A_279 = tpu.vector_load %arg11[%swap3A_277, %swap3A_278] {strides = array<i32>} : memref<16x64xf32, #tpu.memory_space<vmem>>, vector<16xf32>,
          tpu.vector_store %arg11[%swap3A_277, %swap3A_278], %gather3A_276 {strides = array<i32>} : memref<16x64xf32, #tpu.memory_space<vmem>>, vector<16xf32>,
          %get3A_280 = arith.constant 0 : index
          %get3A_281 = tpu.vector_load %arg9[%get3A_280] {strides = array<i32>} : memref<16xi32, #tpu.memory_space<vmem>>, vector<16xi32>,
          %lt3A_282 = arith.constant 0 : i32
          %lt3A_283 = vector.broadcast %lt3A_282 : i32 to vector<16xi32>
          %lt3A_284 = arith.cmpi slt, %broadcast_in_dim3A, %lt3A_283 : vector<16xi32>
          %add3A_285 = arith.constant 16 : i32
          %add3A_286 = vector.broadcast %add3A_285 : i32 to vector<16xi32>
          %add3A_287 = arith.addi %broadcast_in_dim3A, %add3A_286 : vector<16xi32>
          %select_n3A_288 = arith.select %lt3A_284, %add3A_287, %broadcast_in_dim3A : vector<16xi1>, vector<16xi32>
          %broadcast_in_dim3A_289 = vector.shape_cast %select_n3A_288 : vector<16xi32> to vector<16x1xi32>
          %gather3A_290 = vector.shape_cast %broadcast_in_dim3A_289 : vector<16x1xi32> to vector<16xi32>
          %gather3A_291 = tpu.dynamic_gather %get3A_281[%gather3A_290] in [0] : vector<16xi32>, vector<16xi32> -> vector<16xi32>
          %slice3A_292 = vector.extract_strided_slice %gather3A_291 {offsets = [0], sizes = [1], strides = [1]} : vector<16xi32> to vector<1xi32>
          %squeeze3A_293 = vector.extract %slice3A_292[0] : i32 from vector<1xi32>
          %dma_start3A_294 = arith.constant 0 : i32
          %dma_start3A_295 = tpu.memref_slice %arg11[%select_n3A_246, %dma_start3A_294] : memref<16x64xf32, #tpu.memory_space<vmem>> -> memref<1x64xf32, #tpu.memory_space<vmem>>
          %dma_start3A_296 = tpu.memref_squeeze %dma_start3A_295 : memref<1x64xf32, #tpu.memory_space<vmem>> -> memref<64xf32, #tpu.memory_space<vmem>>
          %dma_start3A_297 = arith.constant 0 : i32
          %dma_start3A_298 = tpu.memref_slice %arg4[%squeeze3A_293, %dma_start3A_297] : memref<16384x64xf32, #tpu.memory_space<hbm>> -> memref<1x64xf32, #tpu.memory_space<hbm>>
          %dma_start3A_299 = tpu.memref_squeeze %dma_start3A_298 : memref<1x64xf32, #tpu.memory_space<hbm>> -> memref<64xf32, #tpu.memory_space<hbm>>
          %dma_start3A_300 = arith.constant 0 : i32
          %dma_start3A_301 = tpu.memref_slice %arg4[%squeeze3A_293, %dma_start3A_300] : memref<16384x64xf32, #tpu.memory_space<hbm>> -> memref<1x64xf32, #tpu.memory_space<hbm>>
          %dma_start3A_302 = tpu.memref_squeeze %dma_start3A_301 : memref<1x64xf32, #tpu.memory_space<hbm>> -> memref<64xf32, #tpu.memory_space<hbm>>
          %dma_start3A_303 = arith.constant 0 : i32
          %dma_start3A_304 = tpu.memref_slice %arg11[%select_n3A_246, %dma_start3A_303] : memref<16x64xf32, #tpu.memory_space<vmem>> -> memref<1x64xf32, #tpu.memory_space<vmem>>
          %dma_start3A_305 = tpu.memref_squeeze %dma_start3A_304 : memref<1x64xf32, #tpu.memory_space<vmem>> -> memref<64xf32, #tpu.memory_space<vmem>>
          tpu.enqueue_dma source(%dma_start3A_305 : memref<64xf32, #tpu.memory_space<vmem>>) target(%dma_start3A_302 : memref<64xf32, #tpu.memory_space<hbm>>) target_semaphore(%arg15 : memref<!tpu.dma_semaphore, #tpu.memory_space<semaphore_mem>>)
          %add3A_306 = arith.constant 1 : i32
          %add3A_307 = arith.addi %while3A_191, %add3A_306 : i32
          scf.yield %add3A_307 : i32
        }
        scf.yield %while3A_189 : i32
      }
      scf.yield %while3A_156 : i32
    }
    %scan3A_113 = arith.constant 62 : i32
    %min3A_114 = arith.constant 16 : i32
    %min3A_115 = arith.minsi %scan3A_112, %min3A_114 : i32
    %while3A = arith.constant 0 : i32
    %while3A_116 = arith.subi %min3A_115, %while3A : i32
    %while3A_117 = arith.addi %while3A, %while3A_116 : i32
    %while3A_118 = arith.constant 1 : i32
    %while3A_119 = arith.divsi %while3A_116, %while3A_118 : i32
    %while3A_120 = arith.muli %while3A_119, %while3A_118 : i32
    %while3A_121 = arith.addi %while3A, %while3A_120 : i32
    %while3A_122 = arith.constant 1 : i32
    scf.for %while3A_124 = %while3A to %while3A_121 step %while3A_122  : i32 {
      %dma_wait3A = arith.constant 0 : i32
      %dma_wait3A_125 = arith.constant 0 : i32
      %dma_wait3A_126 = arith.constant 0 : i32
      %dma_wait3A_127 = tpu.memref_slice %arg11[%dma_wait3A_125, %dma_wait3A_126] : memref<16x64xf32, #tpu.memory_space<vmem>> -> memref<1x64xf32, #tpu.memory_space<vmem>>
      %dma_wait3A_128 = tpu.memref_squeeze %dma_wait3A_127 : memref<1x64xf32, #tpu.memory_space<vmem>> -> memref<64xf32, #tpu.memory_space<vmem>>
      %dma_wait3A_129 = arith.constant 0 : i32
      %dma_wait3A_130 = tpu.memref_slice %arg4[%dma_wait3A, %dma_wait3A_129] : memref<16384x64xf32, #tpu.memory_space<hbm>> -> memref<1x64xf32, #tpu.memory_space<hbm>>
      %dma_wait3A_131 = tpu.memref_squeeze %dma_wait3A_130 : memref<1x64xf32, #tpu.memory_space<hbm>> -> memref<64xf32, #tpu.memory_space<hbm>>
      %dma_wait3A_132 = arith.constant 0 : i32
      %dma_wait3A_133 = tpu.memref_slice %arg11[%dma_wait3A_125, %dma_wait3A_132] : memref<16x64xf32, #tpu.memory_space<vmem>> -> memref<1x64xf32, #tpu.memory_space<vmem>>
      %dma_wait3A_134 = tpu.memref_squeeze %dma_wait3A_133 : memref<1x64xf32, #tpu.memory_space<vmem>> -> memref<64xf32, #tpu.memory_space<vmem>>
      %dma_wait3A_135 = arith.constant 0 : i32
      %dma_wait3A_136 = tpu.memref_slice %arg4[%dma_wait3A, %dma_wait3A_135] : memref<16384x64xf32, #tpu.memory_space<hbm>> -> memref<1x64xf32, #tpu.memory_space<hbm>>
      %dma_wait3A_137 = tpu.memref_squeeze %dma_wait3A_136 : memref<1x64xf32, #tpu.memory_space<hbm>> -> memref<64xf32, #tpu.memory_space<hbm>>
      tpu.wait_dma2 semaphore(%arg15 : memref<!tpu.dma_semaphore, #tpu.memory_space<semaphore_mem>>) src(%dma_wait3A_137 : memref<64xf32, #tpu.memory_space<hbm>>) dst(%dma_wait3A_134 : memref<64xf32, #tpu.memory_space<vmem>>)
    }
    %while3A_123 = arith.constant 1 : i32
    scf.for %while3A_124 = %while3A_121 to %while3A_117 step %while3A_123  : i32 {
      %dma_wait3A = arith.constant 0 : i32
      %dma_wait3A_125 = arith.constant 0 : i32
      %dma_wait3A_126 = arith.constant 0 : i32
      %dma_wait3A_127 = tpu.memref_slice %arg11[%dma_wait3A_125, %dma_wait3A_126] : memref<16x64xf32, #tpu.memory_space<vmem>> -> memref<1x64xf32, #tpu.memory_space<vmem>>
      %dma_wait3A_128 = tpu.memref_squeeze %dma_wait3A_127 : memref<1x64xf32, #tpu.memory_space<vmem>> -> memref<64xf32, #tpu.memory_space<vmem>>
      %dma_wait3A_129 = arith.constant 0 : i32
      %dma_wait3A_130 = tpu.memref_slice %arg4[%dma_wait3A, %dma_wait3A_129] : memref<16384x64xf32, #tpu.memory_space<hbm>> -> memref<1x64xf32, #tpu.memory_space<hbm>>
      %dma_wait3A_131 = tpu.memref_squeeze %dma_wait3A_130 : memref<1x64xf32, #tpu.memory_space<hbm>> -> memref<64xf32, #tpu.memory_space<hbm>>
      %dma_wait3A_132 = arith.constant 0 : i32
      %dma_wait3A_133 = tpu.memref_slice %arg11[%dma_wait3A_125, %dma_wait3A_132] : memref<16x64xf32, #tpu.memory_space<vmem>> -> memref<1x64xf32, #tpu.memory_space<vmem>>
      %dma_wait3A_134 = tpu.memref_squeeze %dma_wait3A_133 : memref<1x64xf32, #tpu.memory_space<vmem>> -> memref<64xf32, #tpu.memory_space<vmem>>
      %dma_wait3A_135 = arith.constant 0 : i32
      %dma_wait3A_136 = tpu.memref_slice %arg4[%dma_wait3A, %dma_wait3A_135] : memref<16384x64xf32, #tpu.memory_space<hbm>> -> memref<1x64xf32, #tpu.memory_space<hbm>>
      %dma_wait3A_137 = tpu.memref_squeeze %dma_wait3A_136 : memref<1x64xf32, #tpu.memory_space<hbm>> -> memref<64xf32, #tpu.memory_space<hbm>>
      tpu.wait_dma2 semaphore(%arg15 : memref<!tpu.dma_semaphore, #tpu.memory_space<semaphore_mem>>) src(%dma_wait3A_137 : memref<64xf32, #tpu.memory_space<hbm>>) dst(%dma_wait3A_134 : memref<64xf32, #tpu.memory_space<vmem>>)
    }
    return
  }
}

module attributes {stable_mosaic.version = 14 : i64} {
  func.func @body(%arg0: i32, %arg1: memref<2048x64xf32, #tpu.memory_space<vmem>>, %arg2: memref<64x256xf32, #tpu.memory_space<vmem>>, %arg3: memref<1x256xf32, #tpu.memory_space<vmem>>, %arg4: memref<64x256xf32, #tpu.memory_space<vmem>>, %arg5: memref<1x64xf32, #tpu.memory_space<vmem>>, %arg6: memref<64x2048xf32, #tpu.memory_space<vmem>>) attributes {dimension_semantics = [#tpu.dimension_semantics<arbitrary>], iteration_bounds = array<i64: 8>, scalar_prefetch = 0 : i64, scratch_operands = 0 : i64, tpu.core_type = #tpu.core_type<tc>, window_params = [{transform_indices = @transform_0, window_bounds = array<i64: 2048, 64>}, {pipeline_mode = #tpu.pipeline_mode<synchronous>, transform_indices = @transform_1, window_bounds = array<i64: 64, 256>}, {pipeline_mode = #tpu.pipeline_mode<synchronous>, transform_indices = @transform_2, window_bounds = array<i64: 1, 256>}, {pipeline_mode = #tpu.pipeline_mode<synchronous>, transform_indices = @transform_3, window_bounds = array<i64: 64, 256>}, {pipeline_mode = #tpu.pipeline_mode<synchronous>, transform_indices = @transform_4, window_bounds = array<i64: 1, 64>}, {transform_indices = @transform_5, window_bounds = array<i64: 64, 2048>}]} {
    %get3A = arith.constant 0 : index
    %get3A_0 = arith.constant 0 : index
    %get3A_1 = vector.load %arg1[%get3A, %get3A_0] : memref<2048x64xf32, #tpu.memory_space<vmem>>, vector<2048x64xf32>
    %get3A_2 = arith.constant 0 : index
    %get3A_3 = arith.constant 0 : index
    %get3A_4 = vector.load %arg2[%get3A_2, %get3A_3] : memref<64x256xf32, #tpu.memory_space<vmem>>, vector<64x256xf32>
    %dot_general3A = arith.constant dense<0.000000e+00> : vector<2048x256xf32>
    %dot_general3A_5 = tpu.matmul %get3A_1, %get3A_4, %dot_general3A {dimension_numbers = #tpu.dot_dimension_numbers<[1], [0], [0], [1], [0, 0, 1, 1], [], []>, transpose_lhs_hint = false} : vector<2048x64xf32>, vector<64x256xf32>, vector<2048x256xf32> -> vector<2048x256xf32>
    %get3A_6 = arith.constant 0 : index
    %get3A_7 = arith.constant 0 : index
    %get3A_8 = vector.load %arg3[%get3A_6, %get3A_7] : memref<1x256xf32, #tpu.memory_space<vmem>>, vector<1x256xf32>
    %add3A = vector.broadcast %get3A_8 : vector<1x256xf32> to vector<2048x256xf32>
    %add3A_9 = arith.addf %dot_general3A_5, %add3A : vector<2048x256xf32>
    %max3A = arith.constant 0.000000e+00 : f32
    %max3A_10 = vector.broadcast %max3A : f32 to vector<2048x256xf32>
    %max3A_11 = arith.maximumf %add3A_9, %max3A_10 : vector<2048x256xf32>
    %get3A_12 = arith.constant 0 : index
    %get3A_13 = arith.constant 0 : index
    %get3A_14 = vector.load %arg4[%get3A_12, %get3A_13] : memref<64x256xf32, #tpu.memory_space<vmem>>, vector<64x256xf32>
    %dot_general3A_15 = arith.constant dense<0.000000e+00> : vector<2048x64xf32>
    %dot_general3A_16 = tpu.matmul %max3A_11, %get3A_14, %dot_general3A_15 {dimension_numbers = #tpu.dot_dimension_numbers<[1], [1], [0], [0], [0, 0, 1, 0], [], []>, transpose_lhs_hint = false} : vector<2048x256xf32>, vector<64x256xf32>, vector<2048x64xf32> -> vector<2048x64xf32>
    %add3A_17 = arith.addf %get3A_1, %dot_general3A_16 : vector<2048x64xf32>
    %get3A_18 = arith.constant 0 : index
    %get3A_19 = arith.constant 0 : index
    %get3A_20 = vector.load %arg5[%get3A_18, %get3A_19] : memref<1x64xf32, #tpu.memory_space<vmem>>, vector<1x64xf32>
    %add3A_21 = vector.broadcast %get3A_20 : vector<1x64xf32> to vector<2048x64xf32>
    %add3A_22 = arith.addf %add3A_17, %add3A_21 : vector<2048x64xf32>
    %max3A_23 = arith.constant 0.000000e+00 : f32
    %max3A_24 = vector.broadcast %max3A_23 : f32 to vector<2048x64xf32>
    %max3A_25 = arith.maximumf %add3A_22, %max3A_24 : vector<2048x64xf32>
    %transpose3A = tpu.transpose %max3A_25, [1, 0] : vector<2048x64xf32> -> vector<64x2048xf32>
    %swap3A = arith.constant 0 : index
    %swap3A_26 = arith.constant 0 : index
    %swap3A_27 = vector.load %arg6[%swap3A, %swap3A_26] : memref<64x2048xf32, #tpu.memory_space<vmem>>, vector<64x2048xf32>
    tpu.vector_store %arg6[%swap3A, %swap3A_26], %transpose3A {strides = array<i32>} : memref<64x2048xf32, #tpu.memory_space<vmem>>, vector<64x2048xf32>,
    return
  }
  func.func @transform_0(%arg0: i32) -> (i32, i32) {
    %c0_i32 = arith.constant 0 : i32
    %c0_i32_0 = arith.constant 0 : i32
    return %arg0, %c0_i32 : i32, i32
  }
  func.func @transform_1(%arg0: i32) -> (i32, i32) {
    %c0_i32 = arith.constant 0 : i32
    %c0_i32_0 = arith.constant 0 : i32
    %c0_i32_1 = arith.constant 0 : i32
    return %c0_i32, %c0_i32_0 : i32, i32
  }
  func.func @transform_2(%arg0: i32) -> (i32, i32) {
    %c0_i32 = arith.constant 0 : i32
    %c0_i32_0 = arith.constant 0 : i32
    %c0_i32_1 = arith.constant 0 : i32
    return %c0_i32, %c0_i32_0 : i32, i32
  }
  func.func @transform_3(%arg0: i32) -> (i32, i32) {
    %c0_i32 = arith.constant 0 : i32
    %c0_i32_0 = arith.constant 0 : i32
    %c0_i32_1 = arith.constant 0 : i32
    return %c0_i32, %c0_i32_0 : i32, i32
  }
  func.func @transform_4(%arg0: i32) -> (i32, i32) {
    %c0_i32 = arith.constant 0 : i32
    %c0_i32_0 = arith.constant 0 : i32
    %c0_i32_1 = arith.constant 0 : i32
    return %c0_i32, %c0_i32_0 : i32, i32
  }
  func.func @transform_5(%arg0: i32) -> (i32, i32) {
    %c0_i32 = arith.constant 0 : i32
    %c0_i32_0 = arith.constant 0 : i32
    return %c0_i32, %arg0 : i32, i32
  }
}

</mosaic_0001>

<sc_bundles>
// kernel: kernel.4.cloned.1.call-start
scs
__scs_entry_jumppad:
0x0: {  	(pc) =	sbr.rel $0x88, $3  }
0x1: {  	(tag) =	ssettag $0x0;
	lr =	simm.s32 $0x1  }
0x2: {  	[smem:$0x3F9B] =	sst lr;
	_ =	strace $0xD0000000  }
0x3: {  	_ = 	snop  }
0x4: {  	_ = 	snop  }
0x5: {  	_ = 	snop  }
0x6: {  	_ = 	snop  }
0x7: {  	_ = 	snop  }
__scs_overlays_trampoline_lowered:
0x8: {  	[smem:$0x3FAA] =	sst s0  }
0x9: {  	[smem:$0x3FAB] =	sst s1  }
0xa: {  	[smem:$0x3FAC] =	sst s2  }
0xb: {  	[smem:$0x3FAD] =	sst s3  }
0xc: {  	[smem:$0x3FAE] =	sst s4  }
0xd: {  	[smem:$0x3FAF] =	sst s5  }
0xe: {  	[smem:$0x3FB0] =	sst s6  }
0xf: {  	[smem:$0x3FB1] =	sst s7  }
0x10: {  	[smem:$0x3FB2] =	sst s8  }
0x11: {  	[smem:$0x3FB3] =	sst s9;
	s0 =	simm.s32 @!p0 $0x0  }
0x12: {  	s1 =	sld [smem:$0x3F99];
	s0 =	simm.s32 @p0 $0x1  }
0x13: {  	[smem:$0x3FB4] =	sst s0;
	s0 =	simm.s32 @!p1 $0x0  }
0x14: {  	s2 =	sld [smem:$0x3F98];
	s0 =	simm.s32 @p1 $0x1  }
0x15: {  	[smem:$0x3FB5] =	sst s0;
	s0 =	simm.s32 @!p2 $0x0  }
0x16: {  	s3 =	sld [smem:$0x3FDB];
	s0 =	simm.s32 @p2 $0x1  }
0x17: {  	s4 =	simm.s32 $0x1BF5;
	[smem:$0x3FB7] =	sst s0  }
0x18: {  	s0 =	sld [smem:$0x3F9A];
	_ =	swait.ge [sflag:s4], $0x0  }
0x19: {  	s7 =	sld [smem:$0x3F9B]  }
0x1a: {  	s8 =	sadd.s32 $0xFFFFE003, lr  }
0x1b: {  	s9 =	sadd.s32 $0xFFFFFEF7, lr;
	s5 =	simm.s32 $0xFFFFFFFF;
	p2 =	slt.u32 s8, $0xFFFFF086  }
0x1c: {  	p1 =	slt.u32 s9, $0xF7A;
	s5 =	simm.s32 @!p2 $0x0  }
0x1d: {  	s5 =	simm.s32 @p1 $0x1;
	p0 =	seq.s32 s7, s2  }
0x1e: {  	s7 =	smul.u32 @!p0 $0xF7A, s2;
	p2 =	seq.s32 @!p0 s5, $0x0  }
0x1f: {  	s9 =	smul.u32 $0xF7A, s1;
	s8 =	simm.s32 @!p0 $0x1BF5;
	p2 =	por !p2, p0  }
0x20: {  	[sflag:s8] =	ssyncset.s32 @!p0 $0xFFFFF086;
	s6 =	sadd.s32 @!p0 s3, s7;
	s7 =	simm.s32 @!p0 $0x108  }
0x21: {  	s3 =	sadd.s32 s3, s9;
	s6 =	sadd.s32 @!p0 $0x88, s6;
	s7 =	simm.s32 @p2 $0x1082  }
0x22: {  	[simem:s7], [sflag:s8] =	dma.local @!p0 [hbm:s6], $0xF7A  }
0x23: {  	s9 =	sor.u32 $0xD0000000, s2;
	s6 =	simm.s32 $0x108;
	_ =	swait.ge @!p0 [sflag:s8], $0x0  }
0x24: {  	s3 =	sadd.s32 $0x88, s3;
	s6 =	simm.s32 @!p1 $0x1082;
	[sflag:s4] =	ssyncset.s32 $0xFFFFF086  }
0x25: {  	[simem:s6], [sflag:s4] =	dma.local [hbm:s3], $0xF7A  }
0x26: {  	[smem:$0x3F9B] =	sst s1;
	(tag) =	ssettag s2;
	_ =	strace s9  }
0x27: {  	s1 =	sld [smem:$0x3FAB]  }
0x28: {  	s2 =	sld [smem:$0x3FAC]  }
0x29: {  	s4 =	sld [smem:$0x3FAE]  }
0x2a: {  	p0 =	seq.s32 s5, $0x0;
	s5 =	sld [smem:$0x3FAF]  }
0x2b: {  	s6 =	sld [smem:$0x3FB0]  }
0x2c: {  	s7 =	sld [smem:$0x3FB1]  }
0x2d: {  	s3 =	simm.s32 $0x108;
	s8 =	sld [smem:$0x3FB2]  }
0x2e: {  	s3 =	simm.s32 @!p0 $0x1082;
	s9 =	sld [smem:$0x3FB3]  }
0x2f: {  	lr =	sadd.s32 s0, s3;
	s0 =	sld [smem:$0x3FAA]  }
0x30: {  	s3 =	sld [smem:$0x3FAD]  }
0x31: {  	[smem:$0x3FB6] =	sst s10  }
0x32: {  	s10 =	sld [smem:$0x3FB4];
	_ =	sdelay $0x3  }
0x33: {  	p0 =	seq.s32 s10, $0x1;
	s10 =	sld [smem:$0x3FB6];
	_ =	sdelay $0x3  }
0x34: {  	[smem:$0x3FB6] =	sst s10  }
0x35: {  	s10 =	sld [smem:$0x3FB5];
	_ =	sdelay $0x3  }
0x36: {  	p1 =	seq.s32 s10, $0x1;
	s10 =	sld [smem:$0x3FB6];
	_ =	sdelay $0x3  }
0x37: {  	[smem:$0x3FB6] =	sst s10  }
0x38: {  	s10 =	sld [smem:$0x3FB7]  }
0x39: {  	_ = 	snop;
	(pc) =	sbr.ind lr, $3  }
0x3a: {  	_ = 	snop  }
0x3b: {  	_ = 	snop  }
0x3c: {  	p2 =	seq.s32 s10, $0x1;
	s10 =	sld [smem:$0x3FB6]  }
0x3d: {  	_ =	shalt  }
0x3e: {  	_ =	shalt  }
0x3f: {  	_ =	shalt  }
0x40: {  	_ =	shalt  }
0x41: {  	_ =	shalt  }
0x42: {  	_ =	shalt  }
0x43: {  	_ =	shalt  }
0x44: {  	_ =	shalt  }
0x45: {  	_ =	shalt  }
0x46: {  	_ =	shalt  }
0x47: {  	_ =	shalt  }
0x48: {  	_ =	shalt  }
0x49: {  	_ =	shalt  }
0x4a: {  	_ =	shalt  }
0x4b: {  	_ =	shalt  }
0x4c: {  	_ =	shalt  }
0x4d: {  	_ =	shalt  }
0x4e: {  	_ =	shalt  }
0x4f: {  	_ =	shalt  }
0x50: {  	_ =	shalt  }
0x51: {  	_ =	shalt  }
0x52: {  	_ =	shalt  }
0x53: {  	_ =	shalt  }
0x54: {  	_ =	shalt  }
0x55: {  	_ =	shalt  }
0x56: {  	_ =	shalt  }
0x57: {  	_ =	shalt  }
0x58: {  	_ =	shalt  }
0x59: {  	_ =	shalt  }
0x5a: {  	_ =	shalt  }
0x5b: {  	_ =	shalt  }
0x5c: {  	_ =	shalt  }
0x5d: {  	_ =	shalt  }
0x5e: {  	_ =	shalt  }
0x5f: {  	_ =	shalt  }
0x60: {  	_ =	shalt  }
0x61: {  	_ =	shalt  }
0x62: {  	_ =	shalt  }
0x63: {  	_ =	shalt  }
0x64: {  	_ =	shalt  }
0x65: {  	_ =	shalt  }
0x66: {  	_ =	shalt  }
0x67: {  	_ =	shalt  }
0x68: {  	_ =	shalt  }
0x69: {  	_ =	shalt  }
0x6a: {  	_ =	shalt  }
0x6b: {  	_ =	shalt  }
0x6c: {  	_ =	shalt  }
0x6d: {  	_ =	shalt  }
0x6e: {  	_ =	shalt  }
0x6f: {  	_ =	shalt  }
0x70: {  	_ =	shalt  }
0x71: {  	_ =	shalt  }
0x72: {  	_ =	shalt  }
0x73: {  	_ =	shalt  }
0x74: {  	_ =	shalt  }
0x75: {  	_ =	shalt  }
0x76: {  	_ =	shalt  }
0x77: {  	_ =	shalt  }
0x78: {  	_ =	shalt  }
0x79: {  	_ =	shalt  }
0x7a: {  	_ =	shalt  }
0x7b: {  	_ =	shalt  }
0x7c: {  	_ =	shalt  }
0x7d: {  	_ =	shalt  }
0x7e: {  	_ =	shalt  }
0x7f: {  	_ =	shalt  }
0x80: {  	_ =	shalt  }
0x81: {  	_ =	shalt  }
0x82: {  	_ =	shalt  }
0x83: {  	_ =	shalt  }
0x84: {  	_ =	shalt  }
0x85: {  	_ =	shalt  }
0x86: {  	_ =	shalt  }
0x87: {  	_ =	shalt  }
.Lfunc_end0:
.L_simem_size_0:
called_computation_lowered:
.L_overlay_start_0:
0x88: {  	s2 =	sld [smem:$0x3FD9]  }
0x89: {  	s3 =	sld [smem:$0x3FFE];
	_ =	sdelay $0x1  }
0x8a: {  	s1 =	srdreg.scid  }
0x8b: {  	s0 =	sand.u32 $0x1, s1  }
0x8c: {  	s17 =	sshll.u32 s0, $0xA;
	s2 =	sadd.s32 s3, s2  }
0x8d: {  	s2 =	sadd.s32 s2, s17  }
0x8e: {  	[smem:$0x3FC2] =	sst s2  }
0x8f: {  	_ = 	snop  }
0x90: {  	s2 =	sld [smem:$0x3FC9]  }
0x91: {  	s18 =	sld [smem:$0x3FC8];
	(tm) =	ssettm $0x1  }
0x92: {  	s4 =	sld [smem:$0x3FFB];
	_ =	sdelay $0x3  }
0x93: {  	_ =	strace s4  }
0x94: {  	s4 =	sld [smem:$0x3FFC];
	_ =	sdelay $0x3  }
0x95: {  	_ =	strace s4  }
0x96: {  	s4 =	sld [smem:$0x3FFD];
	_ =	sdelay $0x3  }
0x97: {  	_ =	strace s4  }
0x98: {  	_ =	strace $0x8FFFFFFF  }
0x99: {  	s19 =	sld [smem:$0x3FDB];
	_ =	sdelay $0x1  }
0x9a: {  	s5 =	simm.s32 $_scs_section_size  }
0x9b: {  	s6 =	simm.s32 $_size__tile_overlayer_lowered;
	s7 =	simm.s32 $_tile_overlayer_lowered  }
0x9c: {  	s22 =	simm.s32 $0x1BFF;
	s21 =	sshll.u32 s7, $0x1;
	s4 =	sadd.s32 s5, s19  }
0x9d: {  	s8 =	simm.s32 $0x0;
	s20 =	sshll.u32 s6, $0x1;
	s6 =	sadd.s32 s21, s4  }
0x9e: {  	[timem:s8], [sflag:s22] =	dma.local [hbm:s6], s20  }
0x9f: {  	_ =	swait.ge [sflag:s22], s20  }
0xa0: {  	s5 =	ssub.s32 $0x0, s20;
	[sflag:s22] =	ssyncset.done $0x0  }
0xa1: {  	[sflag:s22] =	ssyncadd.s32 s5;
	_ =	sdelay $0x1  }
0xa2: {  	s23 =	simm.s32 $0x1B8B  }
0xa3: {  	_ =	swait.ge [sflag:s23], $0x1  }
0xa4: {  	[sflag:s23] =	ssyncset.done $0x0  }
0xa5: {  	s25 =	simm.s32 $0x1B8E;
	s24 =	sld [smem:$0x3FFE];
	[sflag:s23] =	ssyncadd.s32 $0xFFFFFFFF  }
0xa6: {  	s26 =	simm.s32 $execute0_lowered;
	[smem:$0x3FD2] =	sst s25  }
0xa7: {  	s6 =	sshll.u32 s26, $0x1;
	_ =	strace $0x80000046;
	[dreg:$0x1] =	wrdreg $0xFFFFFFFF  }
0xa8: {  	s28 =	simm.s32 $_size_execute0_lowered;
	s4 =	sadd.s32 s4, s6;
	[dreg:$0x0] =	wrdreg $0x0  }
0xa9: {  	s6 =	sshll.u32 s28, $0x1;
	[dreg:$0x2] =	wrdreg s4  }
0xaa: {  	[dreg:$0x3] =	wrdreg s6  }
0xab: {  	[dreg:$0x4] =	wrdreg $0xC0  }
0xac: {  	_ =	task [dreg:s8], $0x5FFFF  }
0xad: {  	[dreg:$0x1] =	wrdreg $0xFFFFFFFF  }
0xae: {  	[dreg:$0x0] =	wrdreg $0x60  }
0xaf: {  	[dreg:$0x2] =	wrdreg s18  }
0xb0: {  	[dreg:$0x3] =	wrdreg s2  }
0xb1: {  	[dreg:$0x4] =	wrdreg s24  }
0xb2: {  	[dreg:$0x5] =	wrdreg $0x9  }
0xb3: {  	_ =	task.clear_ibuf [dreg:s8], $0x6FFFF;
	_ =	strace $0x90000046  }
0xb4: {  	s29 =	simm.s32 $0x9;
	_ =	strace $0x80000048  }
0xb5: {  	_ =	swait.ge [sflag:s29], $0x1  }
0xb6: {  	[sflag:s29] =	ssyncadd.s32 $0xFFFFFFFF  }
0xb7: {  	_ =	strace $0x90000048  }
0xb8: {  	_ =	sfence  }
0xb9: {  	s30 =	sld [smem:$0x0];
	_ =	sdelay $0x2  }
0xba: {  	s31 =	sshll.u32 s1, $0xD;
	s1 =	sshrl.u32 s1, $0x2  }
0xbb: {  	s3 =	sand.u32 $0x4000, s31;
	s1 =	sadd.s32 s1, s30  }
0xbc: {  	s0 =	sor.u32 s3, s0;
	s1 =	sshll.u32 s1, $0x11  }
0xbd: {  	s0 =	sor.u32 s1, s0  }
0xbe: {  	s0 =	sadd.s32 $0x8F2B, s0  }
0xbf: {  	[sflag:s0] =	ssyncadd.remote.s32 $0x1  }
0xc0: {  	_ =	sfence.sel $0xFFFF  }
0xc1: {  	[dreg:$0x0] =	wrdreg $0xFFFFFFFF;
	(pc) =	sbr.abs _section_cstart, $3  }
0xc2: {  	[dreg:$0x1] =	wrdreg $0xFFFFFFFF  }
0xc3: {  	_ =	task.clear_ibuf [dreg:s8], $0x2FFFF;
	_ =	strace $0x9FFFFFFF  }
0xc4: {  	(tm) =	ssettm $0x7FFFFFFF  }
0xc5: {  	_ =	shalt  }
tec
execute0_lowered:
.L_overlay_start_1:
0x0: {  	(tag) =	ssettag $0x1  }
0x1: {  	s1 =	rddreg [dreg:$0x0];
	s0 =	srdreg.scid  }
0x2: {  	s2 =	stileid.u32;
	s3 =	rddreg [dreg:$0x2]  }
0x3: {  	s4 =	simm.s32 $0x0;
	s13 =	simm.s32 $0x4;
	s14 =	simm.s32 $0x400  }
0x4: {  	s15 =	simm.s32 $0x7A1400;
	s16 =	simm.s32 $0x5280;
	s20 =	simm.s32 $0x4900  }
0x5: {  	s21 =	simm.s32 $0x4A00;
	s0 =	sand.u32 $0x1, s0;
	s2 =	sshll.u32 s2, $0x1  }
0x6: {  	s22 =	simm.s32 $0x4980;
	s23 =	simm.s32 $0x3;
	s2 =	sor.u32 s0, s2  }
0x7: {  	s24 =	simm.s32 $0x2;
	s25 =	simm.s32 $0x0;
	s5 =	smul.u32 $0xF5, s2  }
.Ltmp0:
0x8: {  	v0 =	vlaneseq.u32;
	[smem:$0x7FF] =	sst s4;
	s0 =	ssub.s32 $0x2, s0;
	(pc) =	sbr.rel .LBB2_1-.Ltmp0, $4  }
0x9: {  	s6 =	sadd.s32 $0xE00, s3;
	v1 =	vmul.u32 $0x80, v0;
	s2 =	smul.u32 $0x7A80, s2;
	s30 =	sshrl.u32 s0, $0x1  }
0xa: {  	_ =	strace $0x80000047;
	s0 =	ssub.s32 s0, s30;
	s31 =	sadd.s32 $0xF5, s5  }
0xb: {  	v4 =	vor.u32 $0x800, v1;
	v5 =	vor.u32 $0x1000, v1;
	s7 =	sadd.s32 s1, s2;
	s11 =	sadd.s32 $0x4, s5;
	s12 =	smax.u32 s0, $0x1  }
0xc: {  	v6 =	vor.u32 $0x1800, v1;
	v2 =	vmov s5;
	s8 =	sadd.s32 $0x80, s7;
	s9 =	sadd.s32 $0x100, s7;
	s10 =	sadd.s32 $0x180, s7;
	v3 =	vmov s31  }
.LBB2_17:
0xd: {  	[sflag:s23] =	ssyncadd.s32 $0xFFFFFF80  }
.LBB2_18:
0xe: {  	s25 =	sadd.s32 $0x1, s25  }
0xf: {  	p0 =	sne.s32 s25, s12  }
.Ltmp1:
0x10: {  	_ = 	snop;
	(pc) =	sbr.rel @!p0 .LBB2_19-.Ltmp1, $1  }
0x11: {  	_ =	sdelay $0x3  }
.LBB2_1:
0x12: {  	s0 =	rddreg [dreg:$0x1]  }
0x13: {  	[tilespmem:s4], [sflag:$0x4] =	stream.linear.gather [hbm4b:s0+s4], $0x4000, $0x38;
	[tilespmem:$0x15280] =	vst v63  }
0x14: {  	_ =	swait.ge [sflag:s13], $0x4000  }
0x15: {  	[sflag:s13] =	ssyncset.done $0x0  }
0x16: {  	[sflag:s13] =	ssyncadd.s32 $0xFFFFC000  }
0x17: {  	v7 =	vld [tilespmem:s4+$0x0];
	_ =	sdelay $0x4  }
0x18: {  	v8 =	vshra.s32 v7, $0x7  }
0x19: {  	vm0 =	vge.s32 v8, v2;
	vm1 =	vlt.s32 v8, v3  }
0x1a: {  	vm0 =	vmand vm0, vm1  }
0x1b: {  	v8 =	vmpcnt.ones.xlane vm0;
	_ =	sdelay $0x1  }
0x1c: {  	(v2sf) =	vpush v8, $0x0;
	_ =	sdelay $0x3  }
0x1d: {  	[tilespmem:s4+$0x4000] =	vst.msk vm0, v7;
	v7 =	vor.u32 s4, v0  }
0x1e: {  	s0 =	simm.s32 $0x10;
	[tilespmem:s4+$0x4480] =	vst.msk vm0, v7  }
0x1f: {  	s3 =	simm.s32 $0x20;
	s2 =	simm.s32 $0x0;
	s17 =	simm.s32 $0x10;
	v7 =	vld [tilespmem:s0+$0x0]  }
.LBB2_2:
0x20: {  	p0 =	sne.s32 s3, $0x3FF0;
	_ =	sdelay $0x3  }
0x21: {  	v8 =	vshra.s32 v7, $0x7  }
0x22: {  	vm0 =	vge.s32 v8, v2;
	vm1 =	vlt.s32 v8, v3  }
0x23: {  	vm0 =	vmand vm0, vm1  }
0x24: {  	v8 =	vmpcnt.ones.xlane vm0  }
0x25: {  	s18 =	spop (v2sf)  }
0x26: {  	(v2sf) =	vpush v8, $0x0;
	s2 =	sadd.s32 s2, s18  }
0x27: {  	p1 =	slt.s32 s2, $0x400  }
.Ltmp2:
0x28: {  	s2 =	simm.s32 @!p1 $0x400;
	(pc) =	sbr.rel @p0 .LBB2_2-.Ltmp2, $4  }
0x29: {  	[tilespmem:s2+$0x4000] =	vst.msk vm0, v7;
	v7 =	vor.u32 s0, v0;
	s0 =	smov.u32 s3  }
0x2a: {  	[tilespmem:s2+$0x4480] =	vst.msk vm0, v7  }
0x2b: {  	s17 =	sadd.s32 $0x10, s17  }
0x2c: {  	s3 =	sadd.s32 $0x10, s3;
	v7 =	vld [tilespmem:s17+$0x0]  }
0x2d: {  	_ =	sdelay $0x3  }
0x2e: {  	v8 =	vshra.s32 v7, $0x7  }
0x2f: {  	vm0 =	vge.s32 v8, v2;
	vm1 =	vlt.s32 v8, v3  }
0x30: {  	vm0 =	vmand vm0, vm1  }
0x31: {  	v8 =	vmpcnt.ones.xlane vm0;
	_ =	sdelay $0x1  }
0x32: {  	(v2sf) =	vpush v8, $0x0;
	_ =	sdelay $0x1  }
0x33: {  	s3 =	spop (v2sf)  }
0x34: {  	s2 =	sadd.s32 s2, s3  }
0x35: {  	p0 =	slt.s32 s2, $0x400  }
0x36: {  	s2 =	simm.s32 @!p0 $0x400  }
0x37: {  	[tilespmem:s2+$0x4000] =	vst.msk vm0, v7;
	v7 =	vor.u32 s0, v0  }
0x38: {  	[tilespmem:s2+$0x4480] =	vst.msk vm0, v7  }
0x39: {  	[tilespmem:s16], [sflag:$0x1] =	stream.strided.gather [hbm4b:s7+s14], $0x2000, s15, s14, $0x38;
	[tilespmem:$0x15280] =	vst v63  }
0x3a: {  	s19 =	simm.s32 $0x7280  }
0x3b: {  	[tilespmem:s19], [sflag:$0x1] =	stream.strided.gather [hbm4b:s8+s14], $0x2000, s15, s14, $0x38;
	[tilespmem:$0x15280] =	vst v63  }
0x3c: {  	s26 =	simm.s32 $0x9280  }
0x3d: {  	[tilespmem:s26], [sflag:$0x1] =	stream.strided.gather [hbm4b:s9+s14], $0x2000, s15, s14, $0x38;
	[tilespmem:$0x15280] =	vst v63  }
0x3e: {  	s31 =	simm.s32 $0xB280  }
0x3f: {  	[tilespmem:s31], [sflag:$0x1] =	stream.strided.gather [hbm4b:s10+s14], $0x2000, s15, s14, $0x38;
	[tilespmem:$0x15280] =	vst v63  }
0x40: {  	s18 =	spop (v2sf)  }
0x41: {  	s0 =	sadd.s32 s2, s18  }
.Ltmp3:
0x42: {  	p0 =	slt.s32 s0, $0x400;
	(pc) =	sbr.rel .LBB2_4-.Ltmp3, $4  }
0x43: {  	s0 =	simm.s32 @!p0 $0x400  }
0x44: {  	s30 =	sadd.s32 $0xF, s0  }
0x45: {  	s28 =	sshra.s32 s30, $0x4  }
0x46: {  	s29 =	simm.s32 $0x0;
	s26 =	simm.s32 $0x0;
	v7 =	vmov s0;
	p0 =	slt.s32 s28, $0x1  }
.LBB2_13:
0x47: {  	s29 =	sadd.s32 $0x1, s29  }
0x48: {  	p1 =	sne.s32 s29, $0x3E  }
.Ltmp4:
0x49: {  	_ = 	snop;
	(pc) =	sbr.rel @!p1 .LBB2_14-.Ltmp4, $1  }
0x4a: {  	_ =	sdelay $0x3  }
.LBB2_4:
0x4b: {  	s0 =	sand.u32 $0x1, s29  }
0x4c: {  	p1 =	seq.s32 s0, $0x1  }
0x4d: {  	s2 =	simm.s32 @!p1 $0x1  }
0x4e: {  	_ =	swait.ge @!p1 [sflag:s2], $0x2000  }
0x4f: {  	[sflag:s2] =	ssyncset.done @!p1 $0x0  }
0x50: {  	[sflag:s2] =	ssyncadd.s32 @!p1 $0xFFFFE000  }
0x51: {  	_ =	swait.ge @!p1 [sflag:s2], $0x2000  }
0x52: {  	[sflag:s2] =	ssyncset.done @!p1 $0x0  }
0x53: {  	[sflag:s2] =	ssyncadd.s32 @!p1 $0xFFFFE000  }
0x54: {  	_ =	swait.ge @!p1 [sflag:s2], $0x2000  }
0x55: {  	s3 =	sshll.u32 @!p1 s29, $0x2;
	[sflag:s2] =	ssyncset.done @!p1 $0x0  }
0x56: {  	s3 =	sadd.s32 @!p1 s3, s11;
	[sflag:s2] =	ssyncadd.s32 @!p1 $0xFFFFE000  }
0x57: {  	s18 =	simm.s32 @!p1 $0x7A1400;
	s17 =	smin.u32 @!p1 s3, $0x1E84;
	_ =	swait.ge @!p1 [sflag:s2], $0x2000  }
0x58: {  	s30 =	simm.s32 @!p1 $0xD280;
	s17 =	sshll.u32 @!p1 s17, $0x7;
	[sflag:s2] =	ssyncset.done @!p1 $0x0  }
0x59: {  	[sflag:s2] =	ssyncadd.s32 @!p1 $0xFFFFE000;
	s2 =	sadd.s32 @!p1 s1, s17;
	s17 =	simm.s32 @!p1 $0x400  }
0x5a: {  	[tilespmem:s30], [sflag:$0x2] =	stream.strided.gather @!p1 [hbm4b:s2+s17], $0x2000, s18, s17, $0x38;
	[tilespmem:$0x15280] =	vst v63  }
0x5b: {  	s2 =	smin.u32 @!p1 s3, $0x1E83  }
0x5c: {  	s2 =	sshll.u32 @!p1 s2, $0x7  }
0x5d: {  	s2 =	sadd.s32 @!p1 s1, s2  }
0x5e: {  	s30 =	simm.s32 @!p1 $0xF280;
	s2 =	sadd.s32 @!p1 $0x80, s2  }
0x5f: {  	[tilespmem:s30], [sflag:$0x2] =	stream.strided.gather @!p1 [hbm4b:s2+s17], $0x2000, s18, s17, $0x38;
	[tilespmem:$0x15280] =	vst v63  }
0x60: {  	s2 =	smin.u32 @!p1 s3, $0x1E82  }
0x61: {  	s2 =	sshll.u32 @!p1 s2, $0x7  }
0x62: {  	s2 =	sadd.s32 @!p1 s1, s2  }
0x63: {  	s30 =	simm.s32 @!p1 $0x11280;
	s2 =	sadd.s32 @!p1 $0x100, s2  }
0x64: {  	[tilespmem:s30], [sflag:$0x2] =	stream.strided.gather @!p1 [hbm4b:s2+s17], $0x2000, s18, s17, $0x38;
	[tilespmem:$0x15280] =	vst v63  }
0x65: {  	s2 =	smin.u32 @!p1 s3, $0x1E81  }
0x66: {  	s2 =	sshll.u32 @!p1 s2, $0x7  }
0x67: {  	s2 =	sadd.s32 @!p1 s1, s2  }
0x68: {  	p2 =	seq.s32 @!p1 s0, $0x0;
	s3 =	simm.s32 @!p1 $0x13280;
	s2 =	sadd.s32 @!p1 $0x180, s2  }
0x69: {  	[tilespmem:s3], [sflag:$0x2] =	stream.strided.gather @!p1 [hbm4b:s2+s17], $0x2000, s18, s17, $0x38;
	[tilespmem:$0x15280] =	vst v63  }
0x6a: {  	p1 =	por p1, !p2  }
.Ltmp5:
0x6b: {  	_ = 	snop;
	(pc) =	sbr.rel @!p1 .LBB2_6-.Ltmp5, $1  }
0x6c: {  	_ =	sdelay $0x3  }
0x6d: {  	_ =	swait.ge [sflag:s24], $0x2000  }
0x6e: {  	[sflag:s24] =	ssyncset.done $0x0  }
0x6f: {  	[sflag:s24] =	ssyncadd.s32 $0xFFFFE000  }
0x70: {  	_ =	swait.ge [sflag:s24], $0x2000  }
0x71: {  	[sflag:s24] =	ssyncset.done $0x0  }
0x72: {  	[sflag:s24] =	ssyncadd.s32 $0xFFFFE000  }
0x73: {  	p1 =	seq.s32 s29, $0x3D;
	_ =	swait.ge [sflag:s24], $0x2000  }
0x74: {  	s2 =	sshll.u32 @!p1 s29, $0x2;
	[sflag:s24] =	ssyncset.done $0x0  }
0x75: {  	s2 =	sadd.s32 @!p1 s2, s11;
	[sflag:s24] =	ssyncadd.s32 $0xFFFFE000  }
0x76: {  	s17 =	simm.s32 @!p1 $0x400;
	s3 =	smin.u32 @!p1 s2, $0x1E84;
	_ =	swait.ge [sflag:s24], $0x2000  }
0x77: {  	s18 =	simm.s32 @!p1 $0x7A1400;
	s3 =	sshll.u32 @!p1 s3, $0x7;
	[sflag:s24] =	ssyncset.done $0x0  }
0x78: {  	s30 =	simm.s32 @!p1 $0x5280;
	s3 =	sadd.s32 @!p1 s1, s3;
	[sflag:s24] =	ssyncadd.s32 $0xFFFFE000  }
0x79: {  	[tilespmem:s30], [sflag:$0x1] =	stream.strided.gather @!p1 [hbm4b:s3+s17], $0x2000, s18, s17, $0x38;
	[tilespmem:$0x15280] =	vst v63  }
0x7a: {  	s3 =	smin.u32 @!p1 s2, $0x1E83  }
0x7b: {  	s3 =	sshll.u32 @!p1 s3, $0x7  }
0x7c: {  	s3 =	sadd.s32 @!p1 s1, s3  }
0x7d: {  	s30 =	simm.s32 @!p1 $0x7280;
	s3 =	sadd.s32 @!p1 $0x80, s3  }
0x7e: {  	[tilespmem:s30], [sflag:$0x1] =	stream.strided.gather @!p1 [hbm4b:s3+s17], $0x2000, s18, s17, $0x38;
	[tilespmem:$0x15280] =	vst v63  }
0x7f: {  	s3 =	smin.u32 @!p1 s2, $0x1E82  }
0x80: {  	s2 =	smin.u32 @!p1 s2, $0x1E81;
	s3 =	sshll.u32 @!p1 s3, $0x7  }
0x81: {  	s2 =	sshll.u32 @!p1 s2, $0x7;
	s3 =	sadd.s32 @!p1 s1, s3  }
0x82: {  	s30 =	simm.s32 @!p1 $0x9280;
	s2 =	sadd.s32 @!p1 s1, s2;
	s3 =	sadd.s32 @!p1 $0x100, s3  }
0x83: {  	[tilespmem:s30], [sflag:$0x1] =	stream.strided.gather @!p1 [hbm4b:s3+s17], $0x2000, s18, s17, $0x38;
	[tilespmem:$0x15280] =	vst v63  }
0x84: {  	s2 =	sadd.s32 @!p1 $0x180, s2;
	s3 =	simm.s32 @!p1 $0xB280  }
0x85: {  	[tilespmem:s3], [sflag:$0x1] =	stream.strided.gather @!p1 [hbm4b:s2+s17], $0x2000, s18, s17, $0x38;
	[tilespmem:$0x15280] =	vst v63  }
.LBB2_6:
.Ltmp6:
0x86: {  	(pc) =	sbr.rel @p0 .LBB2_13-.Ltmp6, $1  }
0x87: {  	_ =	sdelay $0x3  }
.Ltmp7:
0x88: {  	(pc) =	sbr.rel .LBB2_8-.Ltmp7, $4  }
0x89: {  	_ = 	snop  }
0x8a: {  	s2 =	sshll.u32 s29, $0x2  }
0x8b: {  	s0 =	sshll.u32 s0, $0x2;
	s2 =	sadd.s32 s5, s2  }
0x8c: {  	s30 =	simm.s32 $0x0;
	v9 =	vmov s0;
	v8 =	vmov s2  }
.LBB2_11:
0x8d: {  	s0 =	sadd.s32 s6, s18;
	s26 =	sadd.s32 s3, s26  }
0x8e: {  	[hbm4b:s0+s4] =	stream.linear.scatter [tilespmem:s17], [sflag:$0x3], $0x80, $0x38;
	[tilespmem:$0x15280] =	vst v63  }
.LBB2_12:
0x8f: {  	s30 =	sadd.s32 $0x1, s30  }
0x90: {  	p1 =	sne.s32 s30, s28  }
.Ltmp8:
0x91: {  	_ = 	snop;
	(pc) =	sbr.rel @!p1 .LBB2_13-.Ltmp8, $1  }
0x92: {  	_ =	sdelay $0x3  }
.LBB2_8:
0x93: {  	s31 =	sshll.u32 s30, $0x4  }
0x94: {  	v10 =	vld [tilespmem:s31+$0x4000];
	_ =	sdelay $0x4  }
0x95: {  	v11 =	vshra.s32 v10, $0x7  }
0x96: {  	v12 =	vor.u32 s31, v0;
	v11 =	vsub.s32 v11, v8  }
0x97: {  	vm0 =	vlt.s32 v12, v7;
	vm1 =	vlt.u32 v11, $0x4  }
0x98: {  	vm0 =	vmand vm0, vm1  }
0x99: {  	v63 =	vmpcnt.ones.xlane vm0;
	_ =	sdelay $0x1  }
0x9a: {  	(v2sf) =	vpush v63, $0x0;
	_ =	sdelay $0xe  }
0x9b: {  	s2 =	spop (v2sf)  }
0x9c: {  	p1 =	slt.s32 s2, $0x1  }
.Ltmp9:
0x9d: {  	_ = 	snop;
	(pc) =	sbr.rel @p1 .LBB2_12-.Ltmp9, $1  }
0x9e: {  	_ =	sdelay $0x3  }
0x9f: {  	v11 =	vadd.s32 v9, v11;
	[tilespmem:s20+$0x0] =	vst.msk vm0, v10  }
0xa0: {  	[tilespmem:s21+$0x0] =	vst.msk vm0, v11  }
0xa1: {  	v12 =	vld [tilespmem:s31+$0x4480];
	_ =	sdelay $0x4  }
0xa2: {  	[tilespmem:s22+$0x0] =	vst.msk vm0, v12  }
0xa3: {  	v12 =	vld [tilespmem:$0x4900]  }
0xa4: {  	v13 =	vld [tilespmem:$0x4A00];
	_ =	sdelay $0x2  }
0xa5: {  	s0 =	simm.s32 $0x0  }
0xa6: {  	v14 =	vmov s0  }
0xa7: {  	v12 =	vperm.xlane v12, v14;
	v13 =	vperm.xlane v13, v14;
	_ =	sdelay $0x1  }
0xa8: {  	v12 =	vand.u32 $0x7F, v12;
	v13 =	vshll.u32 v13, $0xD  }
0xa9: {  	s19 =	sadd.s32 $0x0, s26;
	v12 =	vor.u32 v13, v12  }
0xaa: {  	p1 =	slt.s32 s19, $0x10;
	v13 =	vor.u32 v1, v12  }
0xab: {  	s0 =	simm.s32 @!p1 $0x3  }
0xac: {  	_ =	swait.ge @!p1 [sflag:s0], $0x80  }
0xad: {  	[sflag:s0] =	ssyncset.done @!p1 $0x0  }
0xae: {  	[sflag:s0] =	ssyncadd.s32 @!p1 $0xFFFFFF80  }
0xaf: {  	v13 =	vld.idx.msk [tilespmem:v13+s16+$0x0], $0xffff  }
0xb0: {  	v15 =	vor.u32 v4, v12;
	_ =	sdelay $0x1  }
0xb1: {  	s0 =	sshll.u32 s26, $0x7  }
0xb2: {  	s17 =	sand.u32 $0x780, s0  }
0xb3: {  	[tilespmem:s17+$0x4A80] =	vst v13  }
0xb4: {  	v13 =	vld.idx.msk [tilespmem:v15+s16+$0x0], $0xffff  }
0xb5: {  	v63 =	vor.u32 v5, v12;
	_ =	sdelay $0x3  }
0xb6: {  	[tilespmem:s17+$0x4A90] =	vst v13  }
0xb7: {  	v13 =	vld.idx.msk [tilespmem:v63+s16+$0x0], $0xffff  }
0xb8: {  	v12 =	vor.u32 v6, v12;
	_ =	sdelay $0x3  }
0xb9: {  	[tilespmem:s17+$0x4AA0] =	vst v13  }
0xba: {  	v12 =	vld.idx.msk [tilespmem:v12+s16+$0x0], $0xffff;
	_ =	sdelay $0x4  }
0xbb: {  	[tilespmem:s17+$0x4AB0] =	vst v12  }
0xbc: {  	v12 =	vld [tilespmem:$0x4980];
	_ =	sdelay $0x4  }
0xbd: {  	v12 =	vperm.xlane v12, v14;
	_ =	sdelay $0x1  }
0xbe: {  	(v2sf) =	vpush v12, $0x0;
	_ =	sdelay $0xb  }
0xbf: {  	p1 =	sne.s32 s2, $0x1  }
.Ltmp10:
0xc0: {  	_ = 	snop;
	(pc) =	sbr.rel @!p1 .LBB2_11-.Ltmp10, $4  }
0xc1: {  	_ = 	snop  }
0xc2: {  	s3 =	spop (v2sf)  }
0xc3: {  	s18 =	sshll.u32 s3, $0x4  }
0xc4: {  	s17 =	sadd.s32 $0x4A80, s17;
	s3 =	simm.s32 $0x1;
	s18 =	sand.u32 $0x1FFFFFF0, s18  }
.LBB2_10:
0xc5: {  	s18 =	sadd.s32 s6, s18  }
0xc6: {  	s0 =	sadd.s32 $0x80, s0;
	s19 =	smov.u32 s3;
	s3 =	sadd.s32 $0x1, s3  }
0xc7: {  	[hbm4b:s18+s4] =	stream.linear.scatter [tilespmem:s17], [sflag:$0x3], $0x80, $0x38;
	[tilespmem:$0x15280] =	vst v63  }
0xc8: {  	p1 =	sne.s32 s2, s3;
	[tilespmem:s20+$0x0] =	vst.msk vm0, v10  }
0xc9: {  	[tilespmem:s21+$0x0] =	vst.msk vm0, v11  }
0xca: {  	v12 =	vld [tilespmem:s31+$0x4480];
	_ =	sdelay $0x4  }
0xcb: {  	[tilespmem:s22+$0x0] =	vst.msk vm0, v12  }
0xcc: {  	v12 =	vld [tilespmem:$0x4900]  }
0xcd: {  	v13 =	vld [tilespmem:$0x4A00];
	_ =	sdelay $0x2  }
0xce: {  	v14 =	vmov s19  }
0xcf: {  	v12 =	vperm.xlane v12, v14  }
0xd0: {  	v13 =	vperm.xlane v13, v14  }
0xd1: {  	v12 =	vand.u32 $0x7F, v12  }
0xd2: {  	s17 =	sadd.s32 s19, s26;
	v13 =	vshll.u32 v13, $0xD  }
0xd3: {  	p2 =	slt.s32 s17, $0x10;
	v12 =	vor.u32 v13, v12  }
0xd4: {  	s17 =	simm.s32 @!p2 $0x3;
	v13 =	vor.u32 v1, v12  }
0xd5: {  	_ =	swait.ge @!p2 [sflag:s17], $0x80  }
0xd6: {  	[sflag:s17] =	ssyncset.done @!p2 $0x0  }
0xd7: {  	[sflag:s17] =	ssyncadd.s32 @!p2 $0xFFFFFF80;
	_ =	sdelay $0x1  }
0xd8: {  	v13 =	vld.idx.msk [tilespmem:v13+s16+$0x0], $0xffff  }
0xd9: {  	v15 =	vor.u32 v4, v12;
	_ =	sdelay $0x2  }
0xda: {  	s17 =	sand.u32 $0x780, s0;
	_ =	sdelay $0x1  }
0xdb: {  	[tilespmem:s17+$0x4A80] =	vst v13  }
0xdc: {  	v13 =	vld.idx.msk [tilespmem:v15+s16+$0x0], $0xffff  }
0xdd: {  	v15 =	vor.u32 v5, v12;
	_ =	sdelay $0x4  }
0xde: {  	[tilespmem:s17+$0x4A90] =	vst v13  }
0xdf: {  	v13 =	vld.idx.msk [tilespmem:v15+s16+$0x0], $0xffff  }
0xe0: {  	v12 =	vor.u32 v6, v12;
	_ =	sdelay $0x4  }
0xe1: {  	[tilespmem:s17+$0x4AA0] =	vst v13  }
0xe2: {  	v12 =	vld.idx.msk [tilespmem:v12+s16+$0x0], $0xffff;
	_ =	sdelay $0x5  }
0xe3: {  	[tilespmem:s17+$0x4AB0] =	vst v12  }
0xe4: {  	v12 =	vld [tilespmem:$0x4980];
	_ =	sdelay $0x4  }
0xe5: {  	v12 =	vperm.xlane v12, v14;
	_ =	sdelay $0x1  }
0xe6: {  	(v2sf) =	vpush v12, $0x0;
	_ =	sdelay $0xc  }
.Ltmp11:
0xe7: {  	(pc) =	sbr.rel @p1 .LBB2_10-.Ltmp11, $4  }
0xe8: {  	_ = 	snop  }
0xe9: {  	s18 =	spop (v2sf)  }
0xea: {  	s18 =	sshll.u32 s18, $0x4  }
0xeb: {  	s17 =	sadd.s32 $0x4A80, s17;
	s18 =	sand.u32 $0x1FFFFFF0, s18  }
.Ltmp12:
0xec: {  	_ = 	snop;
	(pc) =	sbr.rel .LBB2_11-.Ltmp12, $1  }
0xed: {  	_ =	sdelay $0x3  }
.LBB2_14:
0xee: {  	p0 =	slt.s32 s26, $0x1  }
.Ltmp13:
0xef: {  	_ = 	snop;
	(pc) =	sbr.rel @p0 .LBB2_18-.Ltmp13, $1  }
0xf0: {  	_ =	sdelay $0x3  }
0xf1: {  	p0 =	slt.s32 s26, $0x10  }
0xf2: {  	s26 =	simm.s32 @!p0 $0x10  }
0xf3: {  	p0 =	sne.s32 s26, $0x1  }
.Ltmp14:
0xf4: {  	_ = 	snop;
	(pc) =	sbr.rel @!p0 .LBB2_17-.Ltmp14, $3  }
0xf5: {  	_ =	sdelay $0x1  }
0xf6: {  	_ =	swait.ge [sflag:s23], $0x80  }
0xf7: {  	[sflag:s23] =	ssyncset.done $0x0;
	s0 =	sadd.s32 $0xFFFFFFFF, s26  }
.LBB2_16:
0xf8: {  	p0 =	sne.s32 s0, $0x1;
	s0 =	sadd.s32 $0xFFFFFFFF, s0;
	[sflag:s23] =	ssyncadd.s32 $0xFFFFFF80  }
.Ltmp15:
0xf9: {  	(pc) =	sbr.rel @p0 .LBB2_16-.Ltmp15, $3  }
0xfa: {  	_ =	sdelay $0x1  }
0xfb: {  	_ =	swait.ge [sflag:s23], $0x80  }
0xfc: {  	[sflag:s23] =	ssyncset.done $0x0  }
.Ltmp16:
0xfd: {  	_ = 	snop;
	(pc) =	sbr.rel .LBB2_17-.Ltmp16, $1  }
0xfe: {  	_ =	sdelay $0x3  }
.LBB2_19:
0xff: {  	_ =	sfence.sel $0x180000  }
0x100: {  	[bflag:$0x0] =	sbarrier.arrive $0xFFFF  }
0x101: {  	_ =	strace $0x90000047  }
0x102: {  	s0 =	stileid.u32;
	[bflag:$0x2] =	sbarrier.arrive $0xFFFF  }
0x103: {  	p0 =	sne.s32 s0, $0x0;
	s0 =	rddreg [dreg:$0x3]  }
0x104: {  	s0 =	sadd.s32 @!p0 $0x100000, s0  }
0x105: {  	[sflag:s0] =	ssyncadd.tile.s32 @!p0 $0x1;
	_ =	shalt  }
.Lfunc_end2:
_tile_overlayer_lowered:
.L_overlay_start_2:
0x106: {  	(tag) =	ssettag $0x2  }
0x107: {  	s0 =	rddreg [dreg:$0x0];
	s2 =	stileid.u32  }
0x108: {  	s1 =	rddreg [dreg:$0x1];
	p0 =	sne.s32 s2, $0x0  }
0x109: {  	s3 =	rddreg [dreg:$0x2];
	[bflag:$0x3] =	sbarrier.arrive $0xFFFF;
	s2 =	simm.s32 @!p0 $0x1C04  }
0x10a: {  	[timem:s3], [sflag:s2] =	dma.local @!p0 [hbm:s0], s1  }
0x10b: {  	s0 =	simm.s32 @!p0 $0x4  }
0x10c: {  	_ =	swait.ge @!p0 [sflag:s0], s1  }
0x10d: {  	s1 =	ssub.s32 @!p0 $0x0, s1;
	[sflag:s0] =	ssyncset.done @!p0 $0x0  }
0x10e: {  	[sflag:s0] =	ssyncadd.s32 @!p0 s1  }
0x10f: {  	[bflag:$0x3] =	sbarrier.arrive $0xFFFF  }
0x110: {  	_ =	shalt  }

</sc_bundles>
